<compile_context>
chip_gen: v7x
topology: tpu7x:2x2x1
jax: 0.10.2.dev20260603
libtpu: 0.0.44.dev20260713+nightly
codegen_flags: <defaults>
</compile_context>

<pallas_src>
import functools

import jax
import jax.numpy as jnp
from jax import lax
from jax.experimental import pallas as pl
from jax.experimental.pallas import tpu as pltpu
from jax.experimental.pallas import tpu_sc as plsc

_N_EMB = 1024
_D = 64
_TOK = 32 * 576
_BLK = 4608
_NBLK = _TOK // _BLK



def _argmin_body(ze_ref, cb_ref, rhs_ref, am_ref, ent_ref, loss_ref,
                 cbp_ref, counts_ref, acc_ref, b_ref, cbt_ref):
    i = pl.program_id(0)
    ze = ze_ref[...]
    a = jnp.sum(ze * ze, axis=1, keepdims=True)

    @pl.when(i == 0)
    def _init_b():
        cb = cb_ref[...]
        cbt_ref[...] = cb.T
        b_ref[...] = jnp.sum(cbt_ref[...] * cbt_ref[...], axis=0,
                             keepdims=True)
        cbp_ref[:, 0:_D] = cb
        cbp_ref[:, _D:2 * _D] = cb

    cbt = cbt_ref[...]
    b = b_ref[...]
    mmn = lax.dot_general(ze * (-2.0), cbt, (((1,), (0,)), ((), ())),
                          preferred_element_type=jnp.float32)
    sq = (a + b) + mmn
    m = jnp.min(sq, axis=1)
    eqf = jnp.where(sq == m[:, None], 1.0, 0.0).astype(jnp.bfloat16)
    mix = lax.dot_general(eqf, rhs_ref[...], (((1,), (0,)), ((), ())),
                          preferred_element_type=jnp.float32)
    mix_t = mix.T
    am0 = (mix_t[0:1, :] + mix_t[1:2, :]).astype(jnp.int32)
    cnt = mix_t[2:3, :]
    ones_row = jnp.ones((1, _BLK), jnp.bfloat16)
    counts_blk = lax.dot_general(ones_row, eqf, (((1,), (0,)), ((), ())),
                                 preferred_element_type=jnp.float32)
    am_ref[...] = am0.reshape(1, _BLK // 128, 128)

    @pl.when(i == 0)
    def _init():
        counts_ref[...] = jnp.zeros_like(counts_ref)
        acc_ref[0] = 0.0

    counts_ref[...] += counts_blk
    acc_ref[0] += jnp.sum(m)

    @pl.when(jnp.max(cnt) > 1.5)
    def _ties():
        iota = lax.broadcasted_iota(jnp.int32, (_BLK, _N_EMB), 1)
        am = jnp.min(jnp.where(sq == m[:, None], iota, _N_EMB), axis=1)
        am_ref[...] = am.reshape(1, _BLK // 128, 128)
        onehot = (iota == am[:, None]).astype(jnp.float32)
        counts_ref[...] += jnp.sum(onehot, axis=0, keepdims=True) - counts_blk

    @pl.when(i == _NBLK - 1)
    def _finish():
        probs = counts_ref[0, :] / 10.0
        ent_ref[...] = jnp.sum(probs * jnp.log(probs + 1e-10)).reshape(1, 1)
        loss_ref[...] = (acc_ref[0] / float(_TOK * _D)).reshape(1, 1)


def _mix_rhs():
    idx = jnp.arange(_N_EMB, dtype=jnp.int32)
    rhs = jnp.zeros((_N_EMB, 128), jnp.bfloat16)
    rhs = rhs.at[:, 0].set(((idx // 8) * 8).astype(jnp.bfloat16))
    rhs = rhs.at[:, 1].set((idx % 8).astype(jnp.bfloat16))
    rhs = rhs.at[:, 2].set(jnp.bfloat16(1))
    return rhs


def _argmin_losses(ze2d, cb):
    return pl.pallas_call(
        _argmin_body,
        grid=(_NBLK,),
        in_specs=[
            pl.BlockSpec((_BLK, _D), lambda i: (i, 0)),
            pl.BlockSpec((_N_EMB, _D), lambda i: (0, 0)),
            pl.BlockSpec((_N_EMB, 128), lambda i: (0, 0)),
        ],
        out_specs=[
            pl.BlockSpec((1, _BLK // 128, 128), lambda i: (i, 0, 0)),
            pl.BlockSpec((1, 1), lambda i: (0, 0)),
            pl.BlockSpec((1, 1), lambda i: (0, 0)),
            pl.BlockSpec((_N_EMB, 2 * _D), lambda i: (0, 0)),
        ],
        out_shape=[
            jax.ShapeDtypeStruct((_NBLK, _BLK // 128, 128), jnp.int32),
            jax.ShapeDtypeStruct((1, 1), jnp.float32),
            jax.ShapeDtypeStruct((1, 1), jnp.float32),
            jax.ShapeDtypeStruct((_N_EMB, 2 * _D), jnp.float32),
        ],
        scratch_shapes=[
            pltpu.VMEM((1, _N_EMB), jnp.float32),
            pltpu.SMEM((1,), jnp.float32),
            pltpu.VMEM((1, _N_EMB), jnp.float32),
            pltpu.VMEM((_D, _N_EMB), jnp.float32),
        ],
    )(ze2d, cb, _mix_rhs())


def _sc_gather(cb_pad, idx2d):
    mesh = plsc.VectorSubcoreMesh(core_axis_name="c", subcore_axis_name="s")

    @functools.partial(
        pl.kernel,
        out_type=jax.ShapeDtypeStruct((_TOK, 2 * _D), jnp.float32),
        mesh=mesh,
        scratch_types=[
            pltpu.VMEM((32, 128), jnp.int32),
            pltpu.VMEM((5 * 128, 2 * _D), jnp.float32),
            pltpu.SemaphoreType.DMA,
        ],
    )
    def gather_kernel(cb_hbm, idx_hbm, out_hbm, idx_v, rows_v, sem):
        wid = lax.axis_index("s") * 2 + lax.axis_index("c")
        base = jnp.where(wid < 16, 5 * wid, 4 * wid + 16)
        astart = pl.multiple_of(jnp.minimum((base // 8) * 8, 144 - 32), 8)
        off = base - astart
        pltpu.sync_copy(idx_hbm.at[pl.ds(astart, 32)], idx_v)
        copies = [
            pltpu.async_copy(cb_hbm.at[idx_v.at[off + j]],
                             rows_v.at[pl.ds(j * 128, 128)], sem)
            for j in range(4)
        ]

        @pl.when(wid < 16)
        def _fifth_chunk():
            c5 = pltpu.async_copy(cb_hbm.at[idx_v.at[off + 4]],
                                  rows_v.at[pl.ds(512, 128)], sem)
            for c in copies:
                c.wait()
            c5.wait()
            pltpu.sync_copy(rows_v,
                            out_hbm.at[pl.ds(base * 128, 5 * 128)])

        @pl.when(wid >= 16)
        def _four_chunks():
            for c in copies:
                c.wait()
            pltpu.sync_copy(rows_v.at[pl.ds(0, 512)],
                            out_hbm.at[pl.ds(base * 128, 4 * 128)])

    return gather_kernel(cb_pad, idx2d)


def kernel(ze, codebook):
    ze2d = ze.reshape(_TOK, _D)
    am3d, ent, loss, cb_pad = _argmin_losses(ze2d, codebook)
    zq = _sc_gather(cb_pad, am3d.reshape(_TOK // 128, 128))[:, :_D]
    argmin = am3d.reshape(ze.shape[0], ze.shape[1])
    vq_e_loss = loss[0, 0]
    return (argmin, zq.reshape(ze.shape), vq_e_loss, vq_e_loss, ent[0, 0])

# --- scband reference (transcript-rebuilt; emitter-appended) ---
"""Pipeline reference for scband-quantizer-86311662780958 (READ-ONLY COPY).

The authoritative reference and input builder live on the scoring server;
editing this copy changes nothing except your own understanding.
"""

import jax, jax.numpy as jnp
import numpy as np

NUM_EMBEDDINGS = 1024
EMBEDDING_DIM = 64


def setup_inputs(seed: int = 0) -> dict:
    key = jax.random.key(seed)
    k1, k2 = jax.random.split(key)
    ze = jax.random.normal(k1, (32, 576, EMBEDDING_DIM), dtype=jnp.float32)
    # nn.Embedding default init: N(0, 1)
    codebook = jax.random.normal(k2, (NUM_EMBEDDINGS, EMBEDDING_DIM), dtype=jnp.float32)
    return {"ze": ze, "codebook": codebook}


def reference(ze, codebook):
    # shape='global' path: single _return_code over full embedding dim
    sq_norm = (jnp.sum(ze ** 2, axis=-1, keepdims=True)
               + jnp.sum(codebook ** 2, axis=1)
               - 2.0 * jnp.matmul(ze, codebook.T))
    argmin = jnp.argmin(sq_norm, axis=-1)
    zq = jnp.take(codebook, argmin.reshape(-1), axis=0).reshape(ze.shape)
    vq_e_loss = jnp.mean((zq - jax.lax.stop_gradient(ze)) ** 2)
    vq_commit_loss = jnp.mean((jax.lax.stop_gradient(zq) - ze) ** 2)
    # probs[i] = count_i / 10 (zeros elsewhere); entropy = sum(probs*log(probs+1e-10))
    counts = jnp.bincount(argmin.reshape(-1), length=NUM_EMBEDDINGS)
    probs = counts.astype(jnp.float32) / 10.0
    entropy = jnp.sum(probs * jnp.log(probs + 1e-10))
    return (argmin, zq, vq_e_loss, vq_commit_loss, entropy)

if __name__ == "__main__":
    import jax
    _d = setup_inputs()
    print(jax.jit(kernel)(*tuple(_d.values())))

</pallas_src>

<mosaic_0001>
#map = affine_map<(d0, d1) -> (0, 0)>
module attributes {stable_mosaic.version = 14 : i64} {
  func.func @gather_kernel(%arg0: i32, %arg1: i32, %arg2: memref<1024x128xf32, #tpu.memory_space<hbm>>, %arg3: memref<144x128xi32, #tpu.memory_space<hbm>>, %arg4: memref<18432x128xf32, #tpu.memory_space<hbm>>, %arg5: memref<32x128xi32, #tpu.memory_space<vmem>>, %arg6: memref<640x128xf32, #tpu.memory_space<vmem>>, %arg7: memref<!tpu.dma_semaphore, #tpu.memory_space<semaphore_mem>>) attributes {dimension_semantics = [#tpu.dimension_semantics<core_parallel>, #tpu.dimension_semantics<subcore_parallel>], iteration_bounds = array<i64: 2, 16>, scalar_prefetch = 0 : i64, scratch_operands = 3 : i64, tpu.core_type = #tpu.core_type<sc_vector_subcore>, window_params = [{transform_indices = #map}, {transform_indices = #map}, {transform_indices = #map}]} {
    %mul3A = arith.constant 2 : i32
    %mul3A_0 = arith.muli %arg1, %mul3A : i32
    %add3A = arith.addi %mul3A_0, %arg0 : i32
    %lt3A = arith.constant 16 : i32
    %lt3A_1 = arith.cmpi slt, %add3A, %lt3A : i32
    %mul3A_2 = arith.constant 5 : i32
    %mul3A_3 = arith.muli %mul3A_2, %add3A : i32
    %mul3A_4 = arith.constant 4 : i32
    %mul3A_5 = arith.muli %mul3A_4, %add3A : i32
    %add3A_6 = arith.constant 16 : i32
    %add3A_7 = arith.addi %mul3A_5, %add3A_6 : i32
    %select_n3A = arith.select %lt3A_1, %mul3A_3, %add3A_7 : i32
    %jit3A = arith.constant 8 : i32
    %div3A = arith.divsi %select_n3A, %jit3A : i32
    %sign3A = arith.constant 0 : i32
    %sign3A_8 = arith.cmpi sgt, %select_n3A, %sign3A : i32
    %sign3A_9 = arith.extui %sign3A_8 : i1 to i32
    %sign3A_10 = arith.constant 0 : i32
    %sign3A_11 = arith.cmpi slt, %select_n3A, %sign3A_10 : i32
    %sign3A_12 = arith.extui %sign3A_11 : i1 to i32
    %sign3A_13 = arith.subi %sign3A_9, %sign3A_12 : i32
    %sign3A_14 = arith.constant 0 : i32
    %sign3A_15 = arith.cmpi sgt, %jit3A, %sign3A_14 : i32
    %sign3A_16 = arith.extui %sign3A_15 : i1 to i32
    %sign3A_17 = arith.constant 0 : i32
    %sign3A_18 = arith.cmpi slt, %jit3A, %sign3A_17 : i32
    %sign3A_19 = arith.extui %sign3A_18 : i1 to i32
    %sign3A_20 = arith.subi %sign3A_16, %sign3A_19 : i32
    %ne3A = arith.cmpi ne, %sign3A_13, %sign3A_20 : i32
    %rem3A = arith.remsi %select_n3A, %jit3A : i32
    %ne3A_21 = arith.constant 0 : i32
    %ne3A_22 = arith.cmpi ne, %rem3A, %ne3A_21 : i32
    %and3A = arith.andi %ne3A, %ne3A_22 : i1
    %sub3A = arith.constant 1 : i32
    %sub3A_23 = arith.subi %div3A, %sub3A : i32
    %select_n3A_24 = arith.select %and3A, %sub3A_23, %div3A : i32
    %mul3A_25 = arith.constant 8 : i32
    %mul3A_26 = arith.muli %select_n3A_24, %mul3A_25 : i32
    %min3A = arith.constant 112 : i32
    %min3A_27 = arith.minsi %mul3A_26, %min3A : i32
    %multiple_of3A = tpu.assume_multiple %min3A_27, 8 : i32
    %sub3A_28 = arith.subi %select_n3A, %multiple_of3A : i32
    "tpu.region"() ({
      %run_scoped3A = tpu.sem_alloc : memref<!tpu.dma_semaphore, #tpu.memory_space<semaphore_mem>>
      %dma_start3A_79 = arith.constant 0 : i32
      %dma_start3A_80 = tpu.memref_slice %arg3[%multiple_of3A, %dma_start3A_79] : memref<144x128xi32, #tpu.memory_space<hbm>> -> memref<32x128xi32, #tpu.memory_space<hbm>>
      %dma_start3A_81 = arith.constant 0 : i32
      %dma_start3A_82 = tpu.memref_slice %arg3[%multiple_of3A, %dma_start3A_81] : memref<144x128xi32, #tpu.memory_space<hbm>> -> memref<32x128xi32, #tpu.memory_space<hbm>>
      tpu.enqueue_dma source(%dma_start3A_82 : memref<32x128xi32, #tpu.memory_space<hbm>>) target(%arg5 : memref<32x128xi32, #tpu.memory_space<vmem>>) target_semaphore(%run_scoped3A : memref<!tpu.dma_semaphore, #tpu.memory_space<semaphore_mem>>)
      %dma_wait3A = arith.constant 0 : i32
      %dma_wait3A_83 = tpu.memref_slice %arg3[%multiple_of3A, %dma_wait3A] : memref<144x128xi32, #tpu.memory_space<hbm>> -> memref<32x128xi32, #tpu.memory_space<hbm>>
      %dma_wait3A_84 = arith.constant 0 : i32
      %dma_wait3A_85 = tpu.memref_slice %arg3[%multiple_of3A, %dma_wait3A_84] : memref<144x128xi32, #tpu.memory_space<hbm>> -> memref<32x128xi32, #tpu.memory_space<hbm>>
      tpu.wait_dma2 semaphore(%run_scoped3A : memref<!tpu.dma_semaphore, #tpu.memory_space<semaphore_mem>>) src(%dma_wait3A_85 : memref<32x128xi32, #tpu.memory_space<hbm>>) dst(%arg5 : memref<32x128xi32, #tpu.memory_space<vmem>>)
      tpu.yield
    }) : () -> ()
    %add3A_29 = arith.constant 0 : i32
    %add3A_30 = arith.addi %sub3A_28, %add3A_29 : i32
    %dma_start3A = arith.constant 0 : i32
    %dma_start3A_31 = arith.constant 0 : i32
    %dma_start3A_32 = tpu.memref_slice %arg6[%dma_start3A, %dma_start3A_31] : memref<640x128xf32, #tpu.memory_space<vmem>> -> memref<128x128xf32, #tpu.memory_space<vmem>>
    %dma_start3A_33 = arith.constant 0 : i32
    %dma_start3A_34 = tpu.memref_slice %arg5[%add3A_30, %dma_start3A_33] : memref<32x128xi32, #tpu.memory_space<vmem>> -> memref<1x128xi32, #tpu.memory_space<vmem>>
    %dma_start3A_35 = tpu.memref_squeeze %dma_start3A_34 : memref<1x128xi32, #tpu.memory_space<vmem>> -> memref<128xi32, #tpu.memory_space<vmem>>
    %dma_start3A_36 = arith.constant 0 : i32
    %dma_start3A_37 = arith.constant 0 : i32
    %dma_start3A_38 = tpu.memref_slice %arg2[%dma_start3A_36, %dma_start3A_37] : memref<1024x128xf32, #tpu.memory_space<hbm>> -> memref<1024x128xf32, #tpu.memory_space<hbm>>
    tpu.enqueue_indirect_dma source(%dma_start3A_38 : memref<1024x128xf32, #tpu.memory_space<hbm>>) target(%dma_start3A_32 : memref<128x128xf32, #tpu.memory_space<vmem>>) offsets(%dma_start3A_35 : memref<128xi32, #tpu.memory_space<vmem>>) semaphore(%arg7 : memref<!tpu.dma_semaphore, #tpu.memory_space<semaphore_mem>>)
    %add3A_39 = arith.constant 1 : i32
    %add3A_40 = arith.addi %sub3A_28, %add3A_39 : i32
    %dma_start3A_41 = arith.constant 128 : i32
    %dma_start3A_42 = arith.constant 0 : i32
    %dma_start3A_43 = tpu.memref_slice %arg6[%dma_start3A_41, %dma_start3A_42] : memref<640x128xf32, #tpu.memory_space<vmem>> -> memref<128x128xf32, #tpu.memory_space<vmem>>
    %dma_start3A_44 = arith.constant 0 : i32
    %dma_start3A_45 = tpu.memref_slice %arg5[%add3A_40, %dma_start3A_44] : memref<32x128xi32, #tpu.memory_space<vmem>> -> memref<1x128xi32, #tpu.memory_space<vmem>>
    %dma_start3A_46 = tpu.memref_squeeze %dma_start3A_45 : memref<1x128xi32, #tpu.memory_space<vmem>> -> memref<128xi32, #tpu.memory_space<vmem>>
    %dma_start3A_47 = arith.constant 0 : i32
    %dma_start3A_48 = arith.constant 0 : i32
    %dma_start3A_49 = tpu.memref_slice %arg2[%dma_start3A_47, %dma_start3A_48] : memref<1024x128xf32, #tpu.memory_space<hbm>> -> memref<1024x128xf32, #tpu.memory_space<hbm>>
    tpu.enqueue_indirect_dma source(%dma_start3A_49 : memref<1024x128xf32, #tpu.memory_space<hbm>>) target(%dma_start3A_43 : memref<128x128xf32, #tpu.memory_space<vmem>>) offsets(%dma_start3A_46 : memref<128xi32, #tpu.memory_space<vmem>>) semaphore(%arg7 : memref<!tpu.dma_semaphore, #tpu.memory_space<semaphore_mem>>)
    %add3A_50 = arith.constant 2 : i32
    %add3A_51 = arith.addi %sub3A_28, %add3A_50 : i32
    %dma_start3A_52 = arith.constant 256 : i32
    %dma_start3A_53 = arith.constant 0 : i32
    %dma_start3A_54 = tpu.memref_slice %arg6[%dma_start3A_52, %dma_start3A_53] : memref<640x128xf32, #tpu.memory_space<vmem>> -> memref<128x128xf32, #tpu.memory_space<vmem>>
    %dma_start3A_55 = arith.constant 0 : i32
    %dma_start3A_56 = tpu.memref_slice %arg5[%add3A_51, %dma_start3A_55] : memref<32x128xi32, #tpu.memory_space<vmem>> -> memref<1x128xi32, #tpu.memory_space<vmem>>
    %dma_start3A_57 = tpu.memref_squeeze %dma_start3A_56 : memref<1x128xi32, #tpu.memory_space<vmem>> -> memref<128xi32, #tpu.memory_space<vmem>>
    %dma_start3A_58 = arith.constant 0 : i32
    %dma_start3A_59 = arith.constant 0 : i32
    %dma_start3A_60 = tpu.memref_slice %arg2[%dma_start3A_58, %dma_start3A_59] : memref<1024x128xf32, #tpu.memory_space<hbm>> -> memref<1024x128xf32, #tpu.memory_space<hbm>>
    tpu.enqueue_indirect_dma source(%dma_start3A_60 : memref<1024x128xf32, #tpu.memory_space<hbm>>) target(%dma_start3A_54 : memref<128x128xf32, #tpu.memory_space<vmem>>) offsets(%dma_start3A_57 : memref<128xi32, #tpu.memory_space<vmem>>) semaphore(%arg7 : memref<!tpu.dma_semaphore, #tpu.memory_space<semaphore_mem>>)
    %add3A_61 = arith.constant 3 : i32
    %add3A_62 = arith.addi %sub3A_28, %add3A_61 : i32
    %dma_start3A_63 = arith.constant 384 : i32
    %dma_start3A_64 = arith.constant 0 : i32
    %dma_start3A_65 = tpu.memref_slice %arg6[%dma_start3A_63, %dma_start3A_64] : memref<640x128xf32, #tpu.memory_space<vmem>> -> memref<128x128xf32, #tpu.memory_space<vmem>>
    %dma_start3A_66 = arith.constant 0 : i32
    %dma_start3A_67 = tpu.memref_slice %arg5[%add3A_62, %dma_start3A_66] : memref<32x128xi32, #tpu.memory_space<vmem>> -> memref<1x128xi32, #tpu.memory_space<vmem>>
    %dma_start3A_68 = tpu.memref_squeeze %dma_start3A_67 : memref<1x128xi32, #tpu.memory_space<vmem>> -> memref<128xi32, #tpu.memory_space<vmem>>
    %dma_start3A_69 = arith.constant 0 : i32
    %dma_start3A_70 = arith.constant 0 : i32
    %dma_start3A_71 = tpu.memref_slice %arg2[%dma_start3A_69, %dma_start3A_70] : memref<1024x128xf32, #tpu.memory_space<hbm>> -> memref<1024x128xf32, #tpu.memory_space<hbm>>
    tpu.enqueue_indirect_dma source(%dma_start3A_71 : memref<1024x128xf32, #tpu.memory_space<hbm>>) target(%dma_start3A_65 : memref<128x128xf32, #tpu.memory_space<vmem>>) offsets(%dma_start3A_68 : memref<128xi32, #tpu.memory_space<vmem>>) semaphore(%arg7 : memref<!tpu.dma_semaphore, #tpu.memory_space<semaphore_mem>>)
    %lt3A_72 = arith.constant 16 : i32
    %lt3A_73 = arith.cmpi slt, %add3A, %lt3A_72 : i32
    %convert_element_type3A = arith.extui %lt3A_73 : i1 to i32
    %cond3A = arith.constant 0 : i32
    %cond3A_74 = arith.cmpi ne, %convert_element_type3A, %cond3A : i32
    scf.if %cond3A_74 {
      %add3A_79 = arith.constant 4 : i32
      %add3A_80 = arith.addi %sub3A_28, %add3A_79 : i32
      %dma_start3A_81 = arith.constant 512 : i32
      %dma_start3A_82 = arith.constant 0 : i32
      %dma_start3A_83 = tpu.memref_slice %arg6[%dma_start3A_81, %dma_start3A_82] : memref<640x128xf32, #tpu.memory_space<vmem>> -> memref<128x128xf32, #tpu.memory_space<vmem>>
      %dma_start3A_84 = arith.constant 0 : i32
      %dma_start3A_85 = tpu.memref_slice %arg5[%add3A_80, %dma_start3A_84] : memref<32x128xi32, #tpu.memory_space<vmem>> -> memref<1x128xi32, #tpu.memory_space<vmem>>
      %dma_start3A_86 = tpu.memref_squeeze %dma_start3A_85 : memref<1x128xi32, #tpu.memory_space<vmem>> -> memref<128xi32, #tpu.memory_space<vmem>>
      %dma_start3A_87 = arith.constant 0 : i32
      %dma_start3A_88 = arith.constant 0 : i32
      %dma_start3A_89 = tpu.memref_slice %arg2[%dma_start3A_87, %dma_start3A_88] : memref<1024x128xf32, #tpu.memory_space<hbm>> -> memref<1024x128xf32, #tpu.memory_space<hbm>>
      tpu.enqueue_indirect_dma source(%dma_start3A_89 : memref<1024x128xf32, #tpu.memory_space<hbm>>) target(%dma_start3A_83 : memref<128x128xf32, #tpu.memory_space<vmem>>) offsets(%dma_start3A_86 : memref<128xi32, #tpu.memory_space<vmem>>) semaphore(%arg7 : memref<!tpu.dma_semaphore, #tpu.memory_space<semaphore_mem>>)
      %dma_wait3A = arith.constant 0 : i32
      %dma_wait3A_90 = arith.constant 0 : i32
      %dma_wait3A_91 = tpu.memref_slice %arg6[%dma_wait3A, %dma_wait3A_90] : memref<640x128xf32, #tpu.memory_space<vmem>> -> memref<128x128xf32, #tpu.memory_space<vmem>>
      %dma_wait3A_92 = arith.constant 0 : i32
      %dma_wait3A_93 = tpu.memref_slice %arg5[%add3A_30, %dma_wait3A_92] : memref<32x128xi32, #tpu.memory_space<vmem>> -> memref<1x128xi32, #tpu.memory_space<vmem>>
      %dma_wait3A_94 = tpu.memref_squeeze %dma_wait3A_93 : memref<1x128xi32, #tpu.memory_space<vmem>> -> memref<128xi32, #tpu.memory_space<vmem>>
      %dma_wait3A_95 = arith.constant 0 : i32
      %dma_wait3A_96 = arith.constant 0 : i32
      %dma_wait3A_97 = tpu.memref_slice %arg2[%dma_wait3A_95, %dma_wait3A_96] : memref<1024x128xf32, #tpu.memory_space<hbm>> -> memref<1024x128xf32, #tpu.memory_space<hbm>>
      tpu.wait_indirect_dma semaphore(%arg7 : memref<!tpu.dma_semaphore, #tpu.memory_space<semaphore_mem>>) src(%dma_wait3A_97 : memref<1024x128xf32, #tpu.memory_space<hbm>>) dst(%dma_wait3A_91 : memref<128x128xf32, #tpu.memory_space<vmem>>)
      %dma_wait3A_98 = arith.constant 128 : i32
      %dma_wait3A_99 = arith.constant 0 : i32
      %dma_wait3A_100 = tpu.memref_slice %arg6[%dma_wait3A_98, %dma_wait3A_99] : memref<640x128xf32, #tpu.memory_space<vmem>> -> memref<128x128xf32, #tpu.memory_space<vmem>>
      %dma_wait3A_101 = arith.constant 0 : i32
      %dma_wait3A_102 = tpu.memref_slice %arg5[%add3A_40, %dma_wait3A_101] : memref<32x128xi32, #tpu.memory_space<vmem>> -> memref<1x128xi32, #tpu.memory_space<vmem>>
      %dma_wait3A_103 = tpu.memref_squeeze %dma_wait3A_102 : memref<1x128xi32, #tpu.memory_space<vmem>> -> memref<128xi32, #tpu.memory_space<vmem>>
      %dma_wait3A_104 = arith.constant 0 : i32
      %dma_wait3A_105 = arith.constant 0 : i32
      %dma_wait3A_106 = tpu.memref_slice %arg2[%dma_wait3A_104, %dma_wait3A_105] : memref<1024x128xf32, #tpu.memory_space<hbm>> -> memref<1024x128xf32, #tpu.memory_space<hbm>>
      tpu.wait_indirect_dma semaphore(%arg7 : memref<!tpu.dma_semaphore, #tpu.memory_space<semaphore_mem>>) src(%dma_wait3A_106 : memref<1024x128xf32, #tpu.memory_space<hbm>>) dst(%dma_wait3A_100 : memref<128x128xf32, #tpu.memory_space<vmem>>)
      %dma_wait3A_107 = arith.constant 256 : i32
      %dma_wait3A_108 = arith.constant 0 : i32
      %dma_wait3A_109 = tpu.memref_slice %arg6[%dma_wait3A_107, %dma_wait3A_108] : memref<640x128xf32, #tpu.memory_space<vmem>> -> memref<128x128xf32, #tpu.memory_space<vmem>>
      %dma_wait3A_110 = arith.constant 0 : i32
      %dma_wait3A_111 = tpu.memref_slice %arg5[%add3A_51, %dma_wait3A_110] : memref<32x128xi32, #tpu.memory_space<vmem>> -> memref<1x128xi32, #tpu.memory_space<vmem>>
      %dma_wait3A_112 = tpu.memref_squeeze %dma_wait3A_111 : memref<1x128xi32, #tpu.memory_space<vmem>> -> memref<128xi32, #tpu.memory_space<vmem>>
      %dma_wait3A_113 = arith.constant 0 : i32
      %dma_wait3A_114 = arith.constant 0 : i32
      %dma_wait3A_115 = tpu.memref_slice %arg2[%dma_wait3A_113, %dma_wait3A_114] : memref<1024x128xf32, #tpu.memory_space<hbm>> -> memref<1024x128xf32, #tpu.memory_space<hbm>>
      tpu.wait_indirect_dma semaphore(%arg7 : memref<!tpu.dma_semaphore, #tpu.memory_space<semaphore_mem>>) src(%dma_wait3A_115 : memref<1024x128xf32, #tpu.memory_space<hbm>>) dst(%dma_wait3A_109 : memref<128x128xf32, #tpu.memory_space<vmem>>)
      %dma_wait3A_116 = arith.constant 384 : i32
      %dma_wait3A_117 = arith.constant 0 : i32
      %dma_wait3A_118 = tpu.memref_slice %arg6[%dma_wait3A_116, %dma_wait3A_117] : memref<640x128xf32, #tpu.memory_space<vmem>> -> memref<128x128xf32, #tpu.memory_space<vmem>>
      %dma_wait3A_119 = arith.constant 0 : i32
      %dma_wait3A_120 = tpu.memref_slice %arg5[%add3A_62, %dma_wait3A_119] : memref<32x128xi32, #tpu.memory_space<vmem>> -> memref<1x128xi32, #tpu.memory_space<vmem>>
      %dma_wait3A_121 = tpu.memref_squeeze %dma_wait3A_120 : memref<1x128xi32, #tpu.memory_space<vmem>> -> memref<128xi32, #tpu.memory_space<vmem>>
      %dma_wait3A_122 = arith.constant 0 : i32
      %dma_wait3A_123 = arith.constant 0 : i32
      %dma_wait3A_124 = tpu.memref_slice %arg2[%dma_wait3A_122, %dma_wait3A_123] : memref<1024x128xf32, #tpu.memory_space<hbm>> -> memref<1024x128xf32, #tpu.memory_space<hbm>>
      tpu.wait_indirect_dma semaphore(%arg7 : memref<!tpu.dma_semaphore, #tpu.memory_space<semaphore_mem>>) src(%dma_wait3A_124 : memref<1024x128xf32, #tpu.memory_space<hbm>>) dst(%dma_wait3A_118 : memref<128x128xf32, #tpu.memory_space<vmem>>)
      %dma_wait3A_125 = arith.constant 512 : i32
      %dma_wait3A_126 = arith.constant 0 : i32
      %dma_wait3A_127 = tpu.memref_slice %arg6[%dma_wait3A_125, %dma_wait3A_126] : memref<640x128xf32, #tpu.memory_space<vmem>> -> memref<128x128xf32, #tpu.memory_space<vmem>>
      %dma_wait3A_128 = arith.constant 0 : i32
      %dma_wait3A_129 = tpu.memref_slice %arg5[%add3A_80, %dma_wait3A_128] : memref<32x128xi32, #tpu.memory_space<vmem>> -> memref<1x128xi32, #tpu.memory_space<vmem>>
      %dma_wait3A_130 = tpu.memref_squeeze %dma_wait3A_129 : memref<1x128xi32, #tpu.memory_space<vmem>> -> memref<128xi32, #tpu.memory_space<vmem>>
      %dma_wait3A_131 = arith.constant 0 : i32
      %dma_wait3A_132 = arith.constant 0 : i32
      %dma_wait3A_133 = tpu.memref_slice %arg2[%dma_wait3A_131, %dma_wait3A_132] : memref<1024x128xf32, #tpu.memory_space<hbm>> -> memref<1024x128xf32, #tpu.memory_space<hbm>>
      tpu.wait_indirect_dma semaphore(%arg7 : memref<!tpu.dma_semaphore, #tpu.memory_space<semaphore_mem>>) src(%dma_wait3A_133 : memref<1024x128xf32, #tpu.memory_space<hbm>>) dst(%dma_wait3A_127 : memref<128x128xf32, #tpu.memory_space<vmem>>)
      %mul3A_134 = arith.constant 128 : i32
      %mul3A_135 = arith.muli %select_n3A, %mul3A_134 : i32
      "tpu.region"() ({
        %run_scoped3A = tpu.sem_alloc : memref<!tpu.dma_semaphore, #tpu.memory_space<semaphore_mem>>
        %dma_start3A_136 = arith.constant 0 : i32
        %dma_start3A_137 = tpu.memref_slice %arg4[%mul3A_135, %dma_start3A_136] : memref<18432x128xf32, #tpu.memory_space<hbm>> -> memref<640x128xf32, #tpu.memory_space<hbm>>
        %dma_start3A_138 = arith.constant 0 : i32
        %dma_start3A_139 = tpu.memref_slice %arg4[%mul3A_135, %dma_start3A_138] : memref<18432x128xf32, #tpu.memory_space<hbm>> -> memref<640x128xf32, #tpu.memory_space<hbm>>
        tpu.enqueue_dma source(%arg6 : memref<640x128xf32, #tpu.memory_space<vmem>>) target(%dma_start3A_139 : memref<640x128xf32, #tpu.memory_space<hbm>>) target_semaphore(%run_scoped3A : memref<!tpu.dma_semaphore, #tpu.memory_space<semaphore_mem>>)
        %dma_wait3A_140 = arith.constant 0 : i32
        %dma_wait3A_141 = tpu.memref_slice %arg4[%mul3A_135, %dma_wait3A_140] : memref<18432x128xf32, #tpu.memory_space<hbm>> -> memref<640x128xf32, #tpu.memory_space<hbm>>
        %dma_wait3A_142 = arith.constant 0 : i32
        %dma_wait3A_143 = tpu.memref_slice %arg4[%mul3A_135, %dma_wait3A_142] : memref<18432x128xf32, #tpu.memory_space<hbm>> -> memref<640x128xf32, #tpu.memory_space<hbm>>
        tpu.wait_dma2 semaphore(%run_scoped3A : memref<!tpu.dma_semaphore, #tpu.memory_space<semaphore_mem>>) src(%arg6 : memref<640x128xf32, #tpu.memory_space<vmem>>) dst(%dma_wait3A_143 : memref<640x128xf32, #tpu.memory_space<hbm>>)
        tpu.yield
      }) : () -> ()
    } else {
    }
    %ge3A = arith.constant 16 : i32
    %ge3A_75 = arith.cmpi sge, %add3A, %ge3A : i32
    %convert_element_type3A_76 = arith.extui %ge3A_75 : i1 to i32
    %cond3A_77 = arith.constant 0 : i32
    %cond3A_78 = arith.cmpi ne, %convert_element_type3A_76, %cond3A_77 : i32
    scf.if %cond3A_78 {
      %dma_wait3A = arith.constant 0 : i32
      %dma_wait3A_79 = arith.constant 0 : i32
      %dma_wait3A_80 = tpu.memref_slice %arg6[%dma_wait3A, %dma_wait3A_79] : memref<640x128xf32, #tpu.memory_space<vmem>> -> memref<128x128xf32, #tpu.memory_space<vmem>>
      %dma_wait3A_81 = arith.constant 0 : i32
      %dma_wait3A_82 = tpu.memref_slice %arg5[%add3A_30, %dma_wait3A_81] : memref<32x128xi32, #tpu.memory_space<vmem>> -> memref<1x128xi32, #tpu.memory_space<vmem>>
      %dma_wait3A_83 = tpu.memref_squeeze %dma_wait3A_82 : memref<1x128xi32, #tpu.memory_space<vmem>> -> memref<128xi32, #tpu.memory_space<vmem>>
      %dma_wait3A_84 = arith.constant 0 : i32
      %dma_wait3A_85 = arith.constant 0 : i32
      %dma_wait3A_86 = tpu.memref_slice %arg2[%dma_wait3A_84, %dma_wait3A_85] : memref<1024x128xf32, #tpu.memory_space<hbm>> -> memref<1024x128xf32, #tpu.memory_space<hbm>>
      tpu.wait_indirect_dma semaphore(%arg7 : memref<!tpu.dma_semaphore, #tpu.memory_space<semaphore_mem>>) src(%dma_wait3A_86 : memref<1024x128xf32, #tpu.memory_space<hbm>>) dst(%dma_wait3A_80 : memref<128x128xf32, #tpu.memory_space<vmem>>)
      %dma_wait3A_87 = arith.constant 128 : i32
      %dma_wait3A_88 = arith.constant 0 : i32
      %dma_wait3A_89 = tpu.memref_slice %arg6[%dma_wait3A_87, %dma_wait3A_88] : memref<640x128xf32, #tpu.memory_space<vmem>> -> memref<128x128xf32, #tpu.memory_space<vmem>>
      %dma_wait3A_90 = arith.constant 0 : i32
      %dma_wait3A_91 = tpu.memref_slice %arg5[%add3A_40, %dma_wait3A_90] : memref<32x128xi32, #tpu.memory_space<vmem>> -> memref<1x128xi32, #tpu.memory_space<vmem>>
      %dma_wait3A_92 = tpu.memref_squeeze %dma_wait3A_91 : memref<1x128xi32, #tpu.memory_space<vmem>> -> memref<128xi32, #tpu.memory_space<vmem>>
      %dma_wait3A_93 = arith.constant 0 : i32
      %dma_wait3A_94 = arith.constant 0 : i32
      %dma_wait3A_95 = tpu.memref_slice %arg2[%dma_wait3A_93, %dma_wait3A_94] : memref<1024x128xf32, #tpu.memory_space<hbm>> -> memref<1024x128xf32, #tpu.memory_space<hbm>>
      tpu.wait_indirect_dma semaphore(%arg7 : memref<!tpu.dma_semaphore, #tpu.memory_space<semaphore_mem>>) src(%dma_wait3A_95 : memref<1024x128xf32, #tpu.memory_space<hbm>>) dst(%dma_wait3A_89 : memref<128x128xf32, #tpu.memory_space<vmem>>)
      %dma_wait3A_96 = arith.constant 256 : i32
      %dma_wait3A_97 = arith.constant 0 : i32
      %dma_wait3A_98 = tpu.memref_slice %arg6[%dma_wait3A_96, %dma_wait3A_97] : memref<640x128xf32, #tpu.memory_space<vmem>> -> memref<128x128xf32, #tpu.memory_space<vmem>>
      %dma_wait3A_99 = arith.constant 0 : i32
      %dma_wait3A_100 = tpu.memref_slice %arg5[%add3A_51, %dma_wait3A_99] : memref<32x128xi32, #tpu.memory_space<vmem>> -> memref<1x128xi32, #tpu.memory_space<vmem>>
      %dma_wait3A_101 = tpu.memref_squeeze %dma_wait3A_100 : memref<1x128xi32, #tpu.memory_space<vmem>> -> memref<128xi32, #tpu.memory_space<vmem>>
      %dma_wait3A_102 = arith.constant 0 : i32
      %dma_wait3A_103 = arith.constant 0 : i32
      %dma_wait3A_104 = tpu.memref_slice %arg2[%dma_wait3A_102, %dma_wait3A_103] : memref<1024x128xf32, #tpu.memory_space<hbm>> -> memref<1024x128xf32, #tpu.memory_space<hbm>>
      tpu.wait_indirect_dma semaphore(%arg7 : memref<!tpu.dma_semaphore, #tpu.memory_space<semaphore_mem>>) src(%dma_wait3A_104 : memref<1024x128xf32, #tpu.memory_space<hbm>>) dst(%dma_wait3A_98 : memref<128x128xf32, #tpu.memory_space<vmem>>)
      %dma_wait3A_105 = arith.constant 384 : i32
      %dma_wait3A_106 = arith.constant 0 : i32
      %dma_wait3A_107 = tpu.memref_slice %arg6[%dma_wait3A_105, %dma_wait3A_106] : memref<640x128xf32, #tpu.memory_space<vmem>> -> memref<128x128xf32, #tpu.memory_space<vmem>>
      %dma_wait3A_108 = arith.constant 0 : i32
      %dma_wait3A_109 = tpu.memref_slice %arg5[%add3A_62, %dma_wait3A_108] : memref<32x128xi32, #tpu.memory_space<vmem>> -> memref<1x128xi32, #tpu.memory_space<vmem>>
      %dma_wait3A_110 = tpu.memref_squeeze %dma_wait3A_109 : memref<1x128xi32, #tpu.memory_space<vmem>> -> memref<128xi32, #tpu.memory_space<vmem>>
      %dma_wait3A_111 = arith.constant 0 : i32
      %dma_wait3A_112 = arith.constant 0 : i32
      %dma_wait3A_113 = tpu.memref_slice %arg2[%dma_wait3A_111, %dma_wait3A_112] : memref<1024x128xf32, #tpu.memory_space<hbm>> -> memref<1024x128xf32, #tpu.memory_space<hbm>>
      tpu.wait_indirect_dma semaphore(%arg7 : memref<!tpu.dma_semaphore, #tpu.memory_space<semaphore_mem>>) src(%dma_wait3A_113 : memref<1024x128xf32, #tpu.memory_space<hbm>>) dst(%dma_wait3A_107 : memref<128x128xf32, #tpu.memory_space<vmem>>)
      %mul3A_114 = arith.constant 128 : i32
      %mul3A_115 = arith.muli %select_n3A, %mul3A_114 : i32
      "tpu.region"() ({
        %run_scoped3A = tpu.sem_alloc : memref<!tpu.dma_semaphore, #tpu.memory_space<semaphore_mem>>
        %dma_start3A_116 = arith.constant 0 : i32
        %dma_start3A_117 = arith.constant 0 : i32
        %dma_start3A_118 = tpu.memref_slice %arg6[%dma_start3A_116, %dma_start3A_117] : memref<640x128xf32, #tpu.memory_space<vmem>> -> memref<512x128xf32, #tpu.memory_space<vmem>>
        %dma_start3A_119 = arith.constant 0 : i32
        %dma_start3A_120 = tpu.memref_slice %arg4[%mul3A_115, %dma_start3A_119] : memref<18432x128xf32, #tpu.memory_space<hbm>> -> memref<512x128xf32, #tpu.memory_space<hbm>>
        %dma_start3A_121 = arith.constant 0 : i32
        %dma_start3A_122 = tpu.memref_slice %arg4[%mul3A_115, %dma_start3A_121] : memref<18432x128xf32, #tpu.memory_space<hbm>> -> memref<512x128xf32, #tpu.memory_space<hbm>>
        %dma_start3A_123 = arith.constant 0 : i32
        %dma_start3A_124 = arith.constant 0 : i32
        %dma_start3A_125 = tpu.memref_slice %arg6[%dma_start3A_123, %dma_start3A_124] : memref<640x128xf32, #tpu.memory_space<vmem>> -> memref<512x128xf32, #tpu.memory_space<vmem>>
        tpu.enqueue_dma source(%dma_start3A_125 : memref<512x128xf32, #tpu.memory_space<vmem>>) target(%dma_start3A_122 : memref<512x128xf32, #tpu.memory_space<hbm>>) target_semaphore(%run_scoped3A : memref<!tpu.dma_semaphore, #tpu.memory_space<semaphore_mem>>)
        %dma_wait3A_126 = arith.constant 0 : i32
        %dma_wait3A_127 = arith.constant 0 : i32
        %dma_wait3A_128 = tpu.memref_slice %arg6[%dma_wait3A_126, %dma_wait3A_127] : memref<640x128xf32, #tpu.memory_space<vmem>> -> memref<512x128xf32, #tpu.memory_space<vmem>>
        %dma_wait3A_129 = arith.constant 0 : i32
        %dma_wait3A_130 = tpu.memref_slice %arg4[%mul3A_115, %dma_wait3A_129] : memref<18432x128xf32, #tpu.memory_space<hbm>> -> memref<512x128xf32, #tpu.memory_space<hbm>>
        %dma_wait3A_131 = arith.constant 0 : i32
        %dma_wait3A_132 = tpu.memref_slice %arg4[%mul3A_115, %dma_wait3A_131] : memref<18432x128xf32, #tpu.memory_space<hbm>> -> memref<512x128xf32, #tpu.memory_space<hbm>>
        %dma_wait3A_133 = arith.constant 0 : i32
        %dma_wait3A_134 = arith.constant 0 : i32
        %dma_wait3A_135 = tpu.memref_slice %arg6[%dma_wait3A_133, %dma_wait3A_134] : memref<640x128xf32, #tpu.memory_space<vmem>> -> memref<512x128xf32, #tpu.memory_space<vmem>>
        tpu.wait_dma2 semaphore(%run_scoped3A : memref<!tpu.dma_semaphore, #tpu.memory_space<semaphore_mem>>) src(%dma_wait3A_135 : memref<512x128xf32, #tpu.memory_space<vmem>>) dst(%dma_wait3A_132 : memref<512x128xf32, #tpu.memory_space<hbm>>)
        tpu.yield
      }) : () -> ()
    } else {
    }
    return
  }
}

module attributes {stable_mosaic.version = 14 : i64} {
  func.func @_argmin_body(%arg0: i32, %arg1: memref<4608x64xf32, #tpu.memory_space<vmem>>, %arg2: memref<1024x64xf32, #tpu.memory_space<vmem>>, %arg3: memref<1024x128xbf16, #tpu.memory_space<vmem>>, %arg4: memref<1x36x128xi32, #tpu.memory_space<vmem>>, %arg5: memref<1x1xf32, #tpu.memory_space<vmem>>, %arg6: memref<1x1xf32, #tpu.memory_space<vmem>>, %arg7: memref<1024x128xf32, #tpu.memory_space<vmem>>, %arg8: memref<1x1024xf32, #tpu.memory_space<vmem>>, %arg9: memref<1xf32, #tpu.memory_space<smem>>, %arg10: memref<1x1024xf32, #tpu.memory_space<vmem>>, %arg11: memref<64x1024xf32, #tpu.memory_space<vmem>>) attributes {dimension_semantics = [#tpu.dimension_semantics<arbitrary>], iteration_bounds = array<i64: 4>, scalar_prefetch = 0 : i64, scratch_operands = 4 : i64, tpu.core_type = #tpu.core_type<tc>, window_params = [{transform_indices = @transform_0, window_bounds = array<i64: 4608, 64>}, {pipeline_mode = #tpu.pipeline_mode<synchronous>, transform_indices = @transform_1, window_bounds = array<i64: 1024, 64>}, {pipeline_mode = #tpu.pipeline_mode<synchronous>, transform_indices = @transform_2, window_bounds = array<i64: 1024, 128>}, {transform_indices = @transform_3, window_bounds = array<i64: 1, 36, 128>}, {pipeline_mode = #tpu.pipeline_mode<synchronous>, transform_indices = @transform_4, window_bounds = array<i64: 1, 1>}, {pipeline_mode = #tpu.pipeline_mode<synchronous>, transform_indices = @transform_5, window_bounds = array<i64: 1, 1>}, {pipeline_mode = #tpu.pipeline_mode<synchronous>, transform_indices = @transform_6, window_bounds = array<i64: 1024, 128>}]} {
    %get3A = arith.constant 0 : index
    %get3A_0 = arith.constant 0 : index
    %get3A_1 = vector.load %arg1[%get3A, %get3A_0] : memref<4608x64xf32, #tpu.memory_space<vmem>>, vector<4608x64xf32>
    %mul3A = arith.mulf %get3A_1, %get3A_1 : vector<4608x64xf32>
    %reduce_sum3A = arith.constant dense<0.000000e+00> : vector<4608xf32>
    %reduce_sum3A_2 = vector.multi_reduction <add>, %mul3A, %reduce_sum3A [1] : vector<4608x64xf32> to vector<4608xf32>
    %broadcast_in_dim3A = vector.shape_cast %reduce_sum3A_2 : vector<4608xf32> to vector<4608x1xf32>
    %eq3A = arith.constant 0 : i32
    %eq3A_3 = arith.cmpi eq, %arg0, %eq3A : i32
    %convert_element_type3A = arith.extui %eq3A_3 : i1 to i32
    %cond3A = arith.constant 0 : i32
    %cond3A_4 = arith.cmpi ne, %convert_element_type3A, %cond3A : i32
    scf.if %cond3A_4 {
      %get3A_77 = arith.constant 0 : index
      %get3A_78 = arith.constant 0 : index
      %get3A_79 = vector.load %arg2[%get3A_77, %get3A_78] : memref<1024x64xf32, #tpu.memory_space<vmem>>, vector<1024x64xf32>
      %transpose3A_80 = tpu.transpose %get3A_79, [1, 0] : vector<1024x64xf32> -> vector<64x1024xf32>
      %swap3A_81 = arith.constant 0 : index
      %swap3A_82 = arith.constant 0 : index
      %swap3A_83 = vector.load %arg11[%swap3A_81, %swap3A_82] : memref<64x1024xf32, #tpu.memory_space<vmem>>, vector<64x1024xf32>
      tpu.vector_store %arg11[%swap3A_81, %swap3A_82], %transpose3A_80 {strides = array<i32>} : memref<64x1024xf32, #tpu.memory_space<vmem>>, vector<64x1024xf32>,
      %get3A_84 = arith.constant 0 : index
      %get3A_85 = arith.constant 0 : index
      %get3A_86 = vector.load %arg11[%get3A_84, %get3A_85] : memref<64x1024xf32, #tpu.memory_space<vmem>>, vector<64x1024xf32>
      %get3A_87 = arith.constant 0 : index
      %get3A_88 = arith.constant 0 : index
      %get3A_89 = vector.load %arg11[%get3A_87, %get3A_88] : memref<64x1024xf32, #tpu.memory_space<vmem>>, vector<64x1024xf32>
      %mul3A_90 = arith.mulf %get3A_86, %get3A_89 : vector<64x1024xf32>
      %reduce_sum3A_91 = arith.constant dense<0.000000e+00> : vector<1024xf32>
      %reduce_sum3A_92 = vector.multi_reduction <add>, %mul3A_90, %reduce_sum3A_91 [0] : vector<64x1024xf32> to vector<1024xf32>
      %broadcast_in_dim3A_93 = vector.shape_cast %reduce_sum3A_92 : vector<1024xf32> to vector<1x1024xf32>
      %swap3A_94 = arith.constant 0 : index
      %swap3A_95 = arith.constant 0 : index
      %swap3A_96 = vector.load %arg10[%swap3A_94, %swap3A_95] : memref<1x1024xf32, #tpu.memory_space<vmem>>, vector<1x1024xf32>
      tpu.vector_store %arg10[%swap3A_94, %swap3A_95], %broadcast_in_dim3A_93 {strides = array<i32>} : memref<1x1024xf32, #tpu.memory_space<vmem>>, vector<1x1024xf32>,
      %swap3A_97 = arith.constant 0 : index
      %swap3A_98 = arith.constant 0 : index
      %swap3A_99 = vector.load %arg7[%swap3A_97, %swap3A_98] : memref<1024x128xf32, #tpu.memory_space<vmem>>, vector<1024x64xf32>
      tpu.vector_store %arg7[%swap3A_97, %swap3A_98], %get3A_79 {strides = array<i32>} : memref<1024x128xf32, #tpu.memory_space<vmem>>, vector<1024x64xf32>,
      %swap3A_100 = arith.constant 0 : index
      %swap3A_101 = arith.constant 64 : index
      %swap3A_102 = vector.load %arg7[%swap3A_100, %swap3A_101] : memref<1024x128xf32, #tpu.memory_space<vmem>>, vector<1024x64xf32>
      tpu.vector_store %arg7[%swap3A_100, %swap3A_101], %get3A_79 {strides = array<i32>} : memref<1024x128xf32, #tpu.memory_space<vmem>>, vector<1024x64xf32>,
    } else {
    }
    %get3A_5 = arith.constant 0 : index
    %get3A_6 = arith.constant 0 : index
    %get3A_7 = vector.load %arg11[%get3A_5, %get3A_6] : memref<64x1024xf32, #tpu.memory_space<vmem>>, vector<64x1024xf32>
    %get3A_8 = arith.constant 0 : index
    %get3A_9 = arith.constant 0 : index
    %get3A_10 = vector.load %arg10[%get3A_8, %get3A_9] : memref<1x1024xf32, #tpu.memory_space<vmem>>, vector<1x1024xf32>
    %mul3A_11 = arith.constant -2.000000e+00 : f32
    %mul3A_12 = vector.broadcast %mul3A_11 : f32 to vector<4608x64xf32>
    %mul3A_13 = arith.mulf %get3A_1, %mul3A_12 : vector<4608x64xf32>
    %dot_general3A = arith.constant dense<0.000000e+00> : vector<4608x1024xf32>
    %dot_general3A_14 = tpu.matmul %mul3A_13, %get3A_7, %dot_general3A {dimension_numbers = #tpu.dot_dimension_numbers<[1], [0], [0], [1], [0, 0, 1, 1], [], []>, transpose_lhs_hint = false} : vector<4608x64xf32>, vector<64x1024xf32>, vector<4608x1024xf32> -> vector<4608x1024xf32>
    %add3A = vector.broadcast %broadcast_in_dim3A : vector<4608x1xf32> to vector<4608x1024xf32>
    %add3A_15 = vector.broadcast %get3A_10 : vector<1x1024xf32> to vector<4608x1024xf32>
    %add3A_16 = arith.addf %add3A, %add3A_15 : vector<4608x1024xf32>
    %add3A_17 = arith.addf %add3A_16, %dot_general3A_14 : vector<4608x1024xf32>
    %reduce_min3A = arith.constant dense<0x7F800000> : vector<4608xf32>
    %reduce_min3A_18 = vector.multi_reduction <minimumf>, %add3A_17, %reduce_min3A [1] : vector<4608x1024xf32> to vector<4608xf32>
    %broadcast_in_dim3A_19 = vector.shape_cast %reduce_min3A_18 : vector<4608xf32> to vector<4608x1xf32>
    %eq3A_20 = vector.broadcast %broadcast_in_dim3A_19 : vector<4608x1xf32> to vector<4608x1024xf32>
    %eq3A_21 = arith.cmpf oeq, %add3A_17, %eq3A_20 : vector<4608x1024xf32>
    %jit3A = arith.constant 1.000000e+00 : f32
    %jit3A_22 = arith.constant 0.000000e+00 : f32
    %broadcast_in_dim3A_23 = vector.broadcast %jit3A : f32 to vector<4608x1024xf32>
    %broadcast_in_dim3A_24 = vector.broadcast %jit3A_22 : f32 to vector<4608x1024xf32>
    %select_n3A = arith.select %eq3A_21, %broadcast_in_dim3A_23, %broadcast_in_dim3A_24 : vector<4608x1024xi1>, vector<4608x1024xf32>
    %convert_element_type3A_25 = arith.truncf %select_n3A : vector<4608x1024xf32> to vector<4608x1024xbf16>
    %get3A_26 = arith.constant 0 : index
    %get3A_27 = arith.constant 0 : index
    %get3A_28 = vector.load %arg3[%get3A_26, %get3A_27] : memref<1024x128xbf16, #tpu.memory_space<vmem>>, vector<1024x128xbf16>
    %dot_general3A_29 = arith.constant dense<0.000000e+00> : vector<4608x128xf32>
    %dot_general3A_30 = tpu.matmul %convert_element_type3A_25, %get3A_28, %dot_general3A_29 {dimension_numbers = #tpu.dot_dimension_numbers<[1], [0], [0], [1], [0, 0, 1, 1], [], []>, transpose_lhs_hint = false} : vector<4608x1024xbf16>, vector<1024x128xbf16>, vector<4608x128xf32> -> vector<4608x128xf32>
    %transpose3A = tpu.transpose %dot_general3A_30, [1, 0] : vector<4608x128xf32> -> vector<128x4608xf32>
    %slice3A = vector.extract_strided_slice %transpose3A {offsets = [0, 0], sizes = [1, 4608], strides = [1, 1]} : vector<128x4608xf32> to vector<1x4608xf32>
    %slice3A_31 = vector.extract_strided_slice %transpose3A {offsets = [1, 0], sizes = [1, 4608], strides = [1, 1]} : vector<128x4608xf32> to vector<1x4608xf32>
    %add3A_32 = arith.addf %slice3A, %slice3A_31 : vector<1x4608xf32>
    %convert_element_type3A_33 = arith.fptosi %add3A_32 : vector<1x4608xf32> to vector<1x4608xi32>
    %slice3A_34 = vector.extract_strided_slice %transpose3A {offsets = [2, 0], sizes = [1, 4608], strides = [1, 1]} : vector<128x4608xf32> to vector<1x4608xf32>
    %broadcast_in_dim3A_35 = arith.constant 1.000000e+00 : bf16
    %broadcast_in_dim3A_36 = vector.broadcast %broadcast_in_dim3A_35 : bf16 to vector<1x4608xbf16>
    %dot_general3A_37 = arith.constant dense<0.000000e+00> : vector<1x1024xf32>
    %dot_general3A_38 = tpu.matmul %broadcast_in_dim3A_36, %convert_element_type3A_25, %dot_general3A_37 {dimension_numbers = #tpu.dot_dimension_numbers<[1], [0], [0], [1], [0, 0, 1, 1], [], []>, transpose_lhs_hint = false} : vector<1x4608xbf16>, vector<4608x1024xbf16>, vector<1x1024xf32> -> vector<1x1024xf32>
    %reshape3A = vector.shape_cast %convert_element_type3A_33 : vector<1x4608xi32> to vector<1x36x128xi32>
    %swap3A = arith.constant 0 : index
    %swap3A_39 = arith.constant 0 : index
    %swap3A_40 = arith.constant 0 : index
    %swap3A_41 = vector.load %arg4[%swap3A, %swap3A_39, %swap3A_40] : memref<1x36x128xi32, #tpu.memory_space<vmem>>, vector<1x36x128xi32>
    tpu.vector_store %arg4[%swap3A, %swap3A_39, %swap3A_40], %reshape3A {strides = array<i32>} : memref<1x36x128xi32, #tpu.memory_space<vmem>>, vector<1x36x128xi32>,
    %eq3A_42 = arith.constant 0 : i32
    %eq3A_43 = arith.cmpi eq, %arg0, %eq3A_42 : i32
    %convert_element_type3A_44 = arith.extui %eq3A_43 : i1 to i32
    %cond3A_45 = arith.constant 0 : i32
    %cond3A_46 = arith.cmpi ne, %convert_element_type3A_44, %cond3A_45 : i32
    scf.if %cond3A_46 {
      %broadcast_in_dim3A_77 = arith.constant 0.000000e+00 : f32
      %broadcast_in_dim3A_78 = vector.broadcast %broadcast_in_dim3A_77 : f32 to vector<1x1024xf32>
      %swap3A_79 = arith.constant 0 : index
      %swap3A_80 = arith.constant 0 : index
      %swap3A_81 = vector.load %arg8[%swap3A_79, %swap3A_80] : memref<1x1024xf32, #tpu.memory_space<vmem>>, vector<1x1024xf32>
      tpu.vector_store %arg8[%swap3A_79, %swap3A_80], %broadcast_in_dim3A_78 {strides = array<i32>} : memref<1x1024xf32, #tpu.memory_space<vmem>>, vector<1x1024xf32>,
      %swap3A_82 = arith.constant 0.000000e+00 : f32
      %swap3A_83 = arith.constant 0 : index
      %swap3A_84 = memref.load %arg9[%swap3A_83] : memref<1xf32, #tpu.memory_space<smem>>
      memref.store %swap3A_82, %arg9[%swap3A_83] : memref<1xf32, #tpu.memory_space<smem>>
    } else {
    }
    %get3A_47 = arith.constant 0 : index
    %get3A_48 = arith.constant 0 : index
    %get3A_49 = vector.load %arg8[%get3A_47, %get3A_48] : memref<1x1024xf32, #tpu.memory_space<vmem>>, vector<1x1024xf32>
    %add3A_50 = arith.addf %get3A_49, %dot_general3A_38 : vector<1x1024xf32>
    %swap3A_51 = arith.constant 0 : index
    %swap3A_52 = arith.constant 0 : index
    %swap3A_53 = vector.load %arg8[%swap3A_51, %swap3A_52] : memref<1x1024xf32, #tpu.memory_space<vmem>>, vector<1x1024xf32>
    tpu.vector_store %arg8[%swap3A_51, %swap3A_52], %add3A_50 {strides = array<i32>} : memref<1x1024xf32, #tpu.memory_space<vmem>>, vector<1x1024xf32>,
    %get3A_54 = arith.constant 0 : index
    %get3A_55 = memref.load %arg9[%get3A_54] : memref<1xf32, #tpu.memory_space<smem>>
    %reduce_sum3A_56 = vector.shape_cast %reduce_min3A_18 : vector<4608xf32> to vector<1x4608xf32>
    %reduce_sum3A_57 = arith.constant dense<0.000000e+00> : vector<1xf32>
    %reduce_sum3A_58 = vector.multi_reduction <add>, %reduce_sum3A_56, %reduce_sum3A_57 [1] : vector<1x4608xf32> to vector<1xf32>
    %reduce_sum3A_59 = vector.shape_cast %reduce_sum3A_58 : vector<1xf32> to vector<1x1xf32>
    %reduce_sum3A_60 = vector.extract %reduce_sum3A_59[0, 0] : f32 from vector<1x1xf32>
    %add3A_61 = arith.addf %get3A_55, %reduce_sum3A_60 : f32
    %swap3A_62 = arith.constant 0 : index
    %swap3A_63 = memref.load %arg9[%swap3A_62] : memref<1xf32, #tpu.memory_space<smem>>
    memref.store %add3A_61, %arg9[%swap3A_62] : memref<1xf32, #tpu.memory_space<smem>>
    %reduce_max3A = vector.shape_cast %slice3A_34 : vector<1x4608xf32> to vector<1x1x4608xf32>
    %reduce_max3A_64 = arith.constant dense<0xFF800000> : vector<1xf32>
    %reduce_max3A_65 = vector.multi_reduction <maximumf>, %reduce_max3A, %reduce_max3A_64 [1, 2] : vector<1x1x4608xf32> to vector<1xf32>
    %reduce_max3A_66 = vector.shape_cast %reduce_max3A_65 : vector<1xf32> to vector<1x1x1xf32>
    %reduce_max3A_67 = vector.extract %reduce_max3A_66[0, 0, 0] : f32 from vector<1x1x1xf32>
    %gt3A = arith.constant 1.500000e+00 : f32
    %gt3A_68 = arith.cmpf ogt, %reduce_max3A_67, %gt3A : f32
    %convert_element_type3A_69 = arith.extui %gt3A_68 : i1 to i32
    %cond3A_70 = arith.constant 0 : i32
    %cond3A_71 = arith.cmpi ne, %convert_element_type3A_69, %cond3A_70 : i32
    scf.if %cond3A_71 {
      %iota3A = tpu.iota {dimensions = array<i32: 1>} : vector<4608x1024xi32>
      %broadcast_in_dim3A_77 = vector.shape_cast %reduce_min3A_18 : vector<4608xf32> to vector<4608x1xf32>
      %eq3A_78 = vector.broadcast %broadcast_in_dim3A_77 : vector<4608x1xf32> to vector<4608x1024xf32>
      %eq3A_79 = arith.cmpf oeq, %add3A_17, %eq3A_78 : vector<4608x1024xf32>
      %jit3A_80 = arith.constant 1024 : i32
      %broadcast_in_dim3A_81 = vector.broadcast %jit3A_80 : i32 to vector<4608x1024xi32>
      %select_n3A_82 = arith.select %eq3A_79, %iota3A, %broadcast_in_dim3A_81 : vector<4608x1024xi1>, vector<4608x1024xi32>
      %reduce_min3A_83 = arith.constant dense<2147483647> : vector<4608xi32>
      %reduce_min3A_84 = vector.multi_reduction <minsi>, %select_n3A_82, %reduce_min3A_83 [1] : vector<4608x1024xi32> to vector<4608xi32>
      %reshape3A_85 = vector.shape_cast %reduce_min3A_84 : vector<4608xi32> to vector<1x36x128xi32>
      %swap3A_86 = arith.constant 0 : index
      %swap3A_87 = arith.constant 0 : index
      %swap3A_88 = arith.constant 0 : index
      %swap3A_89 = vector.load %arg4[%swap3A_86, %swap3A_87, %swap3A_88] : memref<1x36x128xi32, #tpu.memory_space<vmem>>, vector<1x36x128xi32>
      tpu.vector_store %arg4[%swap3A_86, %swap3A_87, %swap3A_88], %reshape3A_85 {strides = array<i32>} : memref<1x36x128xi32, #tpu.memory_space<vmem>>, vector<1x36x128xi32>,
      %broadcast_in_dim3A_90 = vector.shape_cast %reduce_min3A_84 : vector<4608xi32> to vector<4608x1xi32>
      %eq3A_91 = vector.broadcast %broadcast_in_dim3A_90 : vector<4608x1xi32> to vector<4608x1024xi32>
      %eq3A_92 = arith.cmpi eq, %iota3A, %eq3A_91 : vector<4608x1024xi32>
      %convert_element_type3A_93 = arith.extui %eq3A_92 : vector<4608x1024xi1> to vector<4608x1024xi32>
      %convert_element_type3A_94 = arith.sitofp %convert_element_type3A_93 : vector<4608x1024xi32> to vector<4608x1024xf32>
      %get3A_95 = arith.constant 0 : index
      %get3A_96 = arith.constant 0 : index
      %get3A_97 = vector.load %arg8[%get3A_95, %get3A_96] : memref<1x1024xf32, #tpu.memory_space<vmem>>, vector<1x1024xf32>
      %reduce_sum3A_98 = arith.constant dense<0.000000e+00> : vector<1024xf32>
      %reduce_sum3A_99 = vector.multi_reduction <add>, %convert_element_type3A_94, %reduce_sum3A_98 [0] : vector<4608x1024xf32> to vector<1024xf32>
      %broadcast_in_dim3A_100 = vector.shape_cast %reduce_sum3A_99 : vector<1024xf32> to vector<1x1024xf32>
      %sub3A = arith.subf %broadcast_in_dim3A_100, %dot_general3A_38 : vector<1x1024xf32>
      %add3A_101 = arith.addf %get3A_97, %sub3A : vector<1x1024xf32>
      %swap3A_102 = arith.constant 0 : index
      %swap3A_103 = arith.constant 0 : index
      %swap3A_104 = vector.load %arg8[%swap3A_102, %swap3A_103] : memref<1x1024xf32, #tpu.memory_space<vmem>>, vector<1x1024xf32>
      tpu.vector_store %arg8[%swap3A_102, %swap3A_103], %add3A_101 {strides = array<i32>} : memref<1x1024xf32, #tpu.memory_space<vmem>>, vector<1x1024xf32>,
    } else {
    }
    %eq3A_72 = arith.constant 3 : i32
    %eq3A_73 = arith.cmpi eq, %arg0, %eq3A_72 : i32
    %convert_element_type3A_74 = arith.extui %eq3A_73 : i1 to i32
    %cond3A_75 = arith.constant 0 : i32
    %cond3A_76 = arith.cmpi ne, %convert_element_type3A_74, %cond3A_75 : i32
    scf.if %cond3A_76 {
      %get3A_77 = arith.constant 0 : index
      %get3A_78 = arith.constant 0 : index
      %get3A_79 = vector.load %arg8[%get3A_77, %get3A_78] : memref<1x1024xf32, #tpu.memory_space<vmem>>, vector<1x1024xf32>
      %get3A_80 = vector.shape_cast %get3A_79 : vector<1x1024xf32> to vector<1024xf32>
      %div3A = arith.constant 1.000000e+01 : f32
      %div3A_81 = vector.broadcast %div3A : f32 to vector<1024xf32>
      %div3A_82 = arith.divf %get3A_80, %div3A_81 : vector<1024xf32>
      %add3A_83 = arith.constant 1.000000e-10 : f32
      %add3A_84 = vector.broadcast %add3A_83 : f32 to vector<1024xf32>
      %add3A_85 = arith.addf %div3A_82, %add3A_84 : vector<1024xf32>
      %log3A = math.log %add3A_85 : vector<1024xf32>
      %mul3A_86 = arith.mulf %div3A_82, %log3A : vector<1024xf32>
      %reduce_sum3A_87 = vector.shape_cast %mul3A_86 : vector<1024xf32> to vector<1x1024xf32>
      %reduce_sum3A_88 = arith.constant dense<0.000000e+00> : vector<1xf32>
      %reduce_sum3A_89 = vector.multi_reduction <add>, %reduce_sum3A_87, %reduce_sum3A_88 [1] : vector<1x1024xf32> to vector<1xf32>
      %reduce_sum3A_90 = vector.shape_cast %reduce_sum3A_89 : vector<1xf32> to vector<1x1xf32>
      %reduce_sum3A_91 = vector.extract %reduce_sum3A_90[0, 0] : f32 from vector<1x1xf32>
      %reshape3A_92 = vector.broadcast %reduce_sum3A_91 : f32 to vector<1x1xf32>
      %swap3A_93 = arith.constant 0 : index
      %swap3A_94 = arith.constant 0 : index
      %swap3A_95 = vector.load %arg5[%swap3A_93, %swap3A_94] : memref<1x1xf32, #tpu.memory_space<vmem>>, vector<1x1xf32>
      tpu.vector_store %arg5[%swap3A_93, %swap3A_94], %reshape3A_92 {strides = array<i32>} : memref<1x1xf32, #tpu.memory_space<vmem>>, vector<1x1xf32>,
      %get3A_96 = arith.constant 0 : index
      %get3A_97 = memref.load %arg9[%get3A_96] : memref<1xf32, #tpu.memory_space<smem>>
      %div3A_98 = arith.constant 0x49900000 : f32
      %div3A_99 = arith.divf %get3A_97, %div3A_98 : f32
      %reshape3A_100 = vector.broadcast %div3A_99 : f32 to vector<1x1xf32>
      %swap3A_101 = arith.constant 0 : index
      %swap3A_102 = arith.constant 0 : index
      %swap3A_103 = vector.load %arg6[%swap3A_101, %swap3A_102] : memref<1x1xf32, #tpu.memory_space<vmem>>, vector<1x1xf32>
      tpu.vector_store %arg6[%swap3A_101, %swap3A_102], %reshape3A_100 {strides = array<i32>} : memref<1x1xf32, #tpu.memory_space<vmem>>, vector<1x1xf32>,
    } else {
    }
    return
  }
  func.func @transform_0(%arg0: i32) -> (i32, i32) {
    %c0_i32 = arith.constant 0 : i32
    %c0_i32_0 = arith.constant 0 : i32
    return %arg0, %c0_i32 : i32, i32
  }
  func.func @transform_1(%arg0: i32) -> (i32, i32) {
    %c0_i32 = arith.constant 0 : i32
    %c0_i32_0 = arith.constant 0 : i32
    %c0_i32_1 = arith.constant 0 : i32
    return %c0_i32, %c0_i32_0 : i32, i32
  }
  func.func @transform_2(%arg0: i32) -> (i32, i32) {
    %c0_i32 = arith.constant 0 : i32
    %c0_i32_0 = arith.constant 0 : i32
    %c0_i32_1 = arith.constant 0 : i32
    return %c0_i32, %c0_i32_0 : i32, i32
  }
  func.func @transform_3(%arg0: i32) -> (i32, i32, i32) {
    %c0_i32 = arith.constant 0 : i32
    %c0_i32_0 = arith.constant 0 : i32
    %c0_i32_1 = arith.constant 0 : i32
    return %arg0, %c0_i32, %c0_i32_0 : i32, i32, i32
  }
  func.func @transform_4(%arg0: i32) -> (i32, i32) {
    %c0_i32 = arith.constant 0 : i32
    %c0_i32_0 = arith.constant 0 : i32
    %c0_i32_1 = arith.constant 0 : i32
    return %c0_i32, %c0_i32_0 : i32, i32
  }
  func.func @transform_5(%arg0: i32) -> (i32, i32) {
    %c0_i32 = arith.constant 0 : i32
    %c0_i32_0 = arith.constant 0 : i32
    %c0_i32_1 = arith.constant 0 : i32
    return %c0_i32, %c0_i32_0 : i32, i32
  }
  func.func @transform_6(%arg0: i32) -> (i32, i32) {
    %c0_i32 = arith.constant 0 : i32
    %c0_i32_0 = arith.constant 0 : i32
    %c0_i32_1 = arith.constant 0 : i32
    return %c0_i32, %c0_i32_0 : i32, i32
  }
}

</mosaic_0001>

<sc_bundles>
// kernel: kernel.4.cloned.1.call-start
scs
__scs_entry_jumppad:
0x0: {  	(pc) =	sbr.rel $0x88, $3  }
0x1: {  	(tag) =	ssettag $0x0;
	lr =	simm.s32 $0x1  }
0x2: {  	[smem:$0x3F9F] =	sst lr;
	_ =	strace $0xD0000000  }
0x3: {  	_ = 	snop  }
0x4: {  	_ = 	snop  }
0x5: {  	_ = 	snop  }
0x6: {  	_ = 	snop  }
0x7: {  	_ = 	snop  }
__scs_overlays_trampoline_lowered:
0x8: {  	[smem:$0x3FAE] =	sst s0  }
0x9: {  	[smem:$0x3FAF] =	sst s1  }
0xa: {  	[smem:$0x3FB0] =	sst s2  }
0xb: {  	[smem:$0x3FB1] =	sst s3  }
0xc: {  	[smem:$0x3FB2] =	sst s4  }
0xd: {  	[smem:$0x3FB3] =	sst s5  }
0xe: {  	[smem:$0x3FB4] =	sst s6  }
0xf: {  	[smem:$0x3FB5] =	sst s7  }
0x10: {  	[smem:$0x3FB6] =	sst s8  }
0x11: {  	[smem:$0x3FB7] =	sst s9;
	s0 =	simm.s32 @!p0 $0x0  }
0x12: {  	s1 =	sld [smem:$0x3F9D];
	s0 =	simm.s32 @p0 $0x1  }
0x13: {  	[smem:$0x3FB8] =	sst s0;
	s0 =	simm.s32 @!p1 $0x0  }
0x14: {  	s2 =	sld [smem:$0x3F9C];
	s0 =	simm.s32 @p1 $0x1  }
0x15: {  	[smem:$0x3FB9] =	sst s0;
	s0 =	simm.s32 @!p2 $0x0  }
0x16: {  	s3 =	sld [smem:$0x3FDB];
	s0 =	simm.s32 @p2 $0x1  }
0x17: {  	s4 =	simm.s32 $0x1BF5;
	[smem:$0x3FBB] =	sst s0  }
0x18: {  	s0 =	sld [smem:$0x3F9E];
	_ =	swait.ge [sflag:s4], $0x0  }
0x19: {  	s7 =	sld [smem:$0x3F9F]  }
0x1a: {  	s8 =	sadd.s32 $0xFFFFE003, lr  }
0x1b: {  	s9 =	sadd.s32 $0xFFFFFEF7, lr;
	s5 =	simm.s32 $0xFFFFFFFF;
	p2 =	slt.u32 s8, $0xFFFFF086  }
0x1c: {  	p1 =	slt.u32 s9, $0xF7A;
	s5 =	simm.s32 @!p2 $0x0  }
0x1d: {  	s5 =	simm.s32 @p1 $0x1;
	p0 =	seq.s32 s7, s2  }
0x1e: {  	s7 =	smul.u32 @!p0 $0xF7A, s2;
	p2 =	seq.s32 @!p0 s5, $0x0  }
0x1f: {  	s9 =	smul.u32 $0xF7A, s1;
	s8 =	simm.s32 @!p0 $0x1BF5;
	p2 =	por !p2, p0  }
0x20: {  	[sflag:s8] =	ssyncset.s32 @!p0 $0xFFFFF086;
	s6 =	sadd.s32 @!p0 s3, s7;
	s7 =	simm.s32 @!p0 $0x108  }
0x21: {  	s3 =	sadd.s32 s3, s9;
	s6 =	sadd.s32 @!p0 $0x88, s6;
	s7 =	simm.s32 @p2 $0x1082  }
0x22: {  	[simem:s7], [sflag:s8] =	dma.local @!p0 [hbm:s6], $0xF7A  }
0x23: {  	s9 =	sor.u32 $0xD0000000, s2;
	s6 =	simm.s32 $0x108;
	_ =	swait.ge @!p0 [sflag:s8], $0x0  }
0x24: {  	s3 =	sadd.s32 $0x88, s3;
	s6 =	simm.s32 @!p1 $0x1082;
	[sflag:s4] =	ssyncset.s32 $0xFFFFF086  }
0x25: {  	[simem:s6], [sflag:s4] =	dma.local [hbm:s3], $0xF7A  }
0x26: {  	[smem:$0x3F9F] =	sst s1;
	(tag) =	ssettag s2;
	_ =	strace s9  }
0x27: {  	s1 =	sld [smem:$0x3FAF]  }
0x28: {  	s2 =	sld [smem:$0x3FB0]  }
0x29: {  	s4 =	sld [smem:$0x3FB2]  }
0x2a: {  	p0 =	seq.s32 s5, $0x0;
	s5 =	sld [smem:$0x3FB3]  }
0x2b: {  	s6 =	sld [smem:$0x3FB4]  }
0x2c: {  	s7 =	sld [smem:$0x3FB5]  }
0x2d: {  	s3 =	simm.s32 $0x108;
	s8 =	sld [smem:$0x3FB6]  }
0x2e: {  	s3 =	simm.s32 @!p0 $0x1082;
	s9 =	sld [smem:$0x3FB7]  }
0x2f: {  	lr =	sadd.s32 s0, s3;
	s0 =	sld [smem:$0x3FAE]  }
0x30: {  	s3 =	sld [smem:$0x3FB1]  }
0x31: {  	[smem:$0x3FBA] =	sst s10  }
0x32: {  	s10 =	sld [smem:$0x3FB8];
	_ =	sdelay $0x3  }
0x33: {  	p0 =	seq.s32 s10, $0x1;
	s10 =	sld [smem:$0x3FBA];
	_ =	sdelay $0x3  }
0x34: {  	[smem:$0x3FBA] =	sst s10  }
0x35: {  	s10 =	sld [smem:$0x3FB9];
	_ =	sdelay $0x3  }
0x36: {  	p1 =	seq.s32 s10, $0x1;
	s10 =	sld [smem:$0x3FBA];
	_ =	sdelay $0x3  }
0x37: {  	[smem:$0x3FBA] =	sst s10  }
0x38: {  	s10 =	sld [smem:$0x3FBB]  }
0x39: {  	_ = 	snop;
	(pc) =	sbr.ind lr, $3  }
0x3a: {  	_ = 	snop  }
0x3b: {  	_ = 	snop  }
0x3c: {  	p2 =	seq.s32 s10, $0x1;
	s10 =	sld [smem:$0x3FBA]  }
0x3d: {  	_ =	shalt  }
0x3e: {  	_ =	shalt  }
0x3f: {  	_ =	shalt  }
0x40: {  	_ =	shalt  }
0x41: {  	_ =	shalt  }
0x42: {  	_ =	shalt  }
0x43: {  	_ =	shalt  }
0x44: {  	_ =	shalt  }
0x45: {  	_ =	shalt  }
0x46: {  	_ =	shalt  }
0x47: {  	_ =	shalt  }
0x48: {  	_ =	shalt  }
0x49: {  	_ =	shalt  }
0x4a: {  	_ =	shalt  }
0x4b: {  	_ =	shalt  }
0x4c: {  	_ =	shalt  }
0x4d: {  	_ =	shalt  }
0x4e: {  	_ =	shalt  }
0x4f: {  	_ =	shalt  }
0x50: {  	_ =	shalt  }
0x51: {  	_ =	shalt  }
0x52: {  	_ =	shalt  }
0x53: {  	_ =	shalt  }
0x54: {  	_ =	shalt  }
0x55: {  	_ =	shalt  }
0x56: {  	_ =	shalt  }
0x57: {  	_ =	shalt  }
0x58: {  	_ =	shalt  }
0x59: {  	_ =	shalt  }
0x5a: {  	_ =	shalt  }
0x5b: {  	_ =	shalt  }
0x5c: {  	_ =	shalt  }
0x5d: {  	_ =	shalt  }
0x5e: {  	_ =	shalt  }
0x5f: {  	_ =	shalt  }
0x60: {  	_ =	shalt  }
0x61: {  	_ =	shalt  }
0x62: {  	_ =	shalt  }
0x63: {  	_ =	shalt  }
0x64: {  	_ =	shalt  }
0x65: {  	_ =	shalt  }
0x66: {  	_ =	shalt  }
0x67: {  	_ =	shalt  }
0x68: {  	_ =	shalt  }
0x69: {  	_ =	shalt  }
0x6a: {  	_ =	shalt  }
0x6b: {  	_ =	shalt  }
0x6c: {  	_ =	shalt  }
0x6d: {  	_ =	shalt  }
0x6e: {  	_ =	shalt  }
0x6f: {  	_ =	shalt  }
0x70: {  	_ =	shalt  }
0x71: {  	_ =	shalt  }
0x72: {  	_ =	shalt  }
0x73: {  	_ =	shalt  }
0x74: {  	_ =	shalt  }
0x75: {  	_ =	shalt  }
0x76: {  	_ =	shalt  }
0x77: {  	_ =	shalt  }
0x78: {  	_ =	shalt  }
0x79: {  	_ =	shalt  }
0x7a: {  	_ =	shalt  }
0x7b: {  	_ =	shalt  }
0x7c: {  	_ =	shalt  }
0x7d: {  	_ =	shalt  }
0x7e: {  	_ =	shalt  }
0x7f: {  	_ =	shalt  }
0x80: {  	_ =	shalt  }
0x81: {  	_ =	shalt  }
0x82: {  	_ =	shalt  }
0x83: {  	_ =	shalt  }
0x84: {  	_ =	shalt  }
0x85: {  	_ =	shalt  }
0x86: {  	_ =	shalt  }
0x87: {  	_ =	shalt  }
.Lfunc_end0:
.L_simem_size_0:
called_computation_lowered:
.L_overlay_start_0:
0x88: {  	s2 =	sld [smem:$0x3FD9]  }
0x89: {  	s3 =	sld [smem:$0x3FFE];
	_ =	sdelay $0x1  }
0x8a: {  	s1 =	srdreg.scid  }
0x8b: {  	s0 =	sand.u32 $0x1, s1  }
0x8c: {  	s14 =	sshll.u32 s0, $0xA;
	s2 =	sadd.s32 s3, s2  }
0x8d: {  	s2 =	sadd.s32 s2, s14  }
0x8e: {  	[smem:$0x3FC6] =	sst s2  }
0x8f: {  	_ = 	snop  }
0x90: {  	s2 =	sld [smem:$0x3FD0];
	_ =	sdelay $0x2  }
0x91: {  	s15 =	simm.s32 $0xA;
	s4 =	simm.s32 $0x10  }
0x92: {  	[smem:s4], [sflag:s15] =	dma.local [hbm:s2], $0x1  }
0x93: {  	_ =	swait.eq [sflag:s15], $0x1  }
0x94: {  	[sflag:s15] =	ssyncset.done $0x0  }
0x95: {  	[sflag:s15] =	ssyncadd.s32 $0xFFFFFFFF  }
0x96: {  	s16 =	sld [smem:$0x11];
	(tm) =	ssettm $0x1  }
0x97: {  	s17 =	sld [smem:$0x3FFB];
	_ =	sdelay $0x3  }
0x98: {  	_ =	strace s17  }
0x99: {  	s3 =	sld [smem:$0x3FFC];
	_ =	sdelay $0x3  }
0x9a: {  	_ =	strace s3  }
0x9b: {  	s3 =	sld [smem:$0x3FFD];
	_ =	sdelay $0x3  }
0x9c: {  	_ =	strace s3  }
0x9d: {  	_ =	strace $0x8FFFFFFF  }
0x9e: {  	s18 =	sld [smem:$0x3FDB];
	_ =	sdelay $0x1  }
0x9f: {  	s19 =	simm.s32 $_scs_section_size  }
0xa0: {  	s5 =	simm.s32 $_size__tile_overlayer_lowered;
	s6 =	simm.s32 $_tile_overlayer_lowered  }
0xa1: {  	s22 =	simm.s32 $0x1BFF;
	s21 =	sshll.u32 s6, $0x1;
	s3 =	sadd.s32 s19, s18  }
0xa2: {  	s7 =	simm.s32 $0x0;
	s20 =	sshll.u32 s5, $0x1;
	s5 =	sadd.s32 s21, s3  }
0xa3: {  	[timem:s7], [sflag:s22] =	dma.local [hbm:s5], s20  }
0xa4: {  	_ =	swait.ge [sflag:s22], s20  }
0xa5: {  	s4 =	ssub.s32 $0x0, s20;
	[sflag:s22] =	ssyncset.done $0x0  }
0xa6: {  	[sflag:s22] =	ssyncadd.s32 s4;
	_ =	sdelay $0x1  }
0xa7: {  	s23 =	simm.s32 $0x1B8B  }
0xa8: {  	_ =	swait.ge [sflag:s23], $0x1  }
0xa9: {  	[sflag:s23] =	ssyncset.done $0x0  }
0xaa: {  	s25 =	simm.s32 $0x1B8E;
	s24 =	sld [smem:$0x3FFE];
	[sflag:s23] =	ssyncadd.s32 $0xFFFFFFFF  }
0xab: {  	s26 =	simm.s32 $execute0_lowered;
	[smem:$0x3FD2] =	sst s25  }
0xac: {  	s5 =	sshll.u32 s26, $0x1;
	_ =	strace $0x80000046;
	[dreg:$0x1] =	wrdreg $0xFFFFFFFF  }
0xad: {  	s28 =	simm.s32 $_size_execute0_lowered;
	s3 =	sadd.s32 s3, s5;
	[dreg:$0x0] =	wrdreg $0x0  }
0xae: {  	s5 =	sshll.u32 s28, $0x1;
	[dreg:$0x2] =	wrdreg s3  }
0xaf: {  	[dreg:$0x3] =	wrdreg s5  }
0xb0: {  	[dreg:$0x4] =	wrdreg $0xC0  }
0xb1: {  	_ =	task [dreg:s7], $0x5FFFF  }
0xb2: {  	[dreg:$0x1] =	wrdreg $0xFFFFFFFF  }
0xb3: {  	[dreg:$0x0] =	wrdreg $0x60  }
0xb4: {  	[dreg:$0x2] =	wrdreg s16  }
0xb5: {  	[dreg:$0x3] =	wrdreg s24  }
0xb6: {  	[dreg:$0x4] =	wrdreg $0x9  }
0xb7: {  	_ =	task.clear_ibuf [dreg:s7], $0x5FFFF;
	_ =	strace $0x90000046  }
0xb8: {  	s29 =	simm.s32 $0x9;
	_ =	strace $0x80000048  }
0xb9: {  	_ =	swait.ge [sflag:s29], $0x1  }
0xba: {  	[sflag:s29] =	ssyncadd.s32 $0xFFFFFFFF  }
0xbb: {  	_ =	strace $0x90000048  }
0xbc: {  	_ =	sfence  }
0xbd: {  	s30 =	sld [smem:$0x0];
	_ =	sdelay $0x2  }
0xbe: {  	s31 =	sshll.u32 s1, $0xD;
	s1 =	sshrl.u32 s1, $0x2  }
0xbf: {  	s3 =	sand.u32 $0x4000, s31;
	s1 =	sadd.s32 s1, s30  }
0xc0: {  	s0 =	sor.u32 s3, s0;
	s1 =	sshll.u32 s1, $0x11  }
0xc1: {  	s0 =	sor.u32 s1, s0  }
0xc2: {  	s0 =	sadd.s32 $0x8F2B, s0  }
0xc3: {  	[sflag:s0] =	ssyncadd.remote.s32 $0x1  }
0xc4: {  	_ =	sfence.sel $0xFFFF  }
0xc5: {  	[dreg:$0x0] =	wrdreg $0xFFFFFFFF;
	(pc) =	sbr.abs _section_cstart, $3  }
0xc6: {  	[dreg:$0x1] =	wrdreg $0xFFFFFFFF  }
0xc7: {  	_ =	task.clear_ibuf [dreg:s7], $0x2FFFF;
	_ =	strace $0x9FFFFFFF  }
0xc8: {  	(tm) =	ssettm $0x7FFFFFFF  }
0xc9: {  	_ =	shalt  }
tec
execute0_lowered:
.L_overlay_start_1:
0x0: {  	(tag) =	ssettag $0x1  }
0x1: {  	s1 =	srdreg.scid;
	s0 =	stileid.u32  }
0x2: {  	s24 =	sand.u32 $0x1, s1;
	s26 =	sshll.u32 s0, $0x1  }
0x3: {  	s25 =	sor.u32 s24, s26  }
0x4: {  	s1 =	sshll.u32 s25, $0x2;
	s3 =	smul.u32 $0x5, s25  }
0x5: {  	p0 =	slt.u32 s0, $0x8;
	s4 =	sadd.s32 $0x10, s1  }
0x6: {  	s2 =	rddreg [dreg:$0x0];
	s16 =	sshll.u32 s4, $0xB;
	s4 =	smov.u32 @p0 s3  }
0x7: {  	s17 =	rddreg [dreg:$0x1];
	s3 =	simm.s32 $0x0;
	s5 =	sand.u32 $0xF8, s4  }
0x8: {  	[smem:$0x7FF] =	sst s3;
	s5 =	smin.u32 s5, $0x70  }
0x9: {  	s1 =	rddreg [dreg:$0x2];
	_ =	strace $0x80000047;
	s6 =	sshll.u32 s5, $0x4  }
0xa: {  	s7 =	ssub.s32 s4, s5;
	s5 =	simm.s32 $0x2;
	s4 =	sadd.s32 s17, s6  }
0xb: {  	[tilespmem:s3], [sflag:$0x2] =	stream.linear.gather [hbm4b:s4+s3], $0x1000, $0x38;
	[tilespmem:$0x15000] =	vst v63  }
0xc: {  	_ =	swait.ge [sflag:s5], $0x1000  }
0xd: {  	s8 =	simm.s32 $0x1000;
	s30 =	sshll.u32 s7, $0x9;
	[sflag:s5] =	ssyncset.done $0x0  }
0xe: {  	s7 =	simm.s32 $0x80;
	s6 =	sshra.s32 s30, $0x2;
	[sflag:s5] =	ssyncadd.s32 $0xFFFFF000  }
0xf: {  	[tilespmem:s8], [sflag:$0x1] =	stream.indirect.gather [hbm4b:s2+s7], $0x80, s6, s7, $0xb8;
	[tilespmem:$0x15000] =	vst v63  }
0x10: {  	s10 =	simm.s32 $0x5000;
	s9 =	sadd.s32 $0x80, s6  }
0x11: {  	[tilespmem:s10], [sflag:$0x1] =	stream.indirect.gather [hbm4b:s2+s7], $0x80, s9, s7, $0xb8;
	[tilespmem:$0x15000] =	vst v63  }
0x12: {  	s12 =	simm.s32 $0x9000;
	p0 =	sgt.u32 s0, $0x7;
	s11 =	sadd.s32 $0x100, s6  }
0x13: {  	[tilespmem:s12], [sflag:$0x1] =	stream.indirect.gather [hbm4b:s2+s7], $0x80, s11, s7, $0xb8;
	[tilespmem:$0x15000] =	vst v63  }
0x14: {  	s14 =	simm.s32 $0xD000;
	s15 =	simm.s32 @p0 $0x1;
	s13 =	sadd.s32 $0x180, s6  }
0x15: {  	[tilespmem:s14], [sflag:$0x1] =	stream.indirect.gather [hbm4b:s2+s7], $0x80, s13, s7, $0xb8;
	[tilespmem:$0x15000] =	vst v63  }
0x16: {  	_ =	swait.ge @p0 [sflag:s15], $0x4000  }
0x17: {  	[sflag:s15] =	ssyncset.done @p0 $0x0  }
0x18: {  	[sflag:s15] =	ssyncadd.s32 @p0 $0xFFFFC000  }
0x19: {  	_ =	swait.ge @p0 [sflag:s15], $0x4000  }
0x1a: {  	[sflag:s15] =	ssyncset.done @p0 $0x0  }
0x1b: {  	[sflag:s15] =	ssyncadd.s32 @p0 $0xFFFFC000  }
0x1c: {  	_ =	swait.ge @p0 [sflag:s15], $0x4000  }
0x1d: {  	[sflag:s15] =	ssyncset.done @p0 $0x0  }
0x1e: {  	[sflag:s15] =	ssyncadd.s32 @p0 $0xFFFFC000  }
0x1f: {  	s26 =	sadd.s32 $0xA00, s17;
	_ =	swait.ge @p0 [sflag:s15], $0x4000  }
0x20: {  	s16 =	sadd.s32 s26, s16;
	s18 =	simm.s32 @p0 $0x0;
	[sflag:s15] =	ssyncset.done @p0 $0x0  }
0x21: {  	s19 =	simm.s32 @p0 $0x1000;
	s17 =	simm.s32 @p0 $0x2;
	[sflag:s15] =	ssyncadd.s32 @p0 $0xFFFFC000  }
0x22: {  	[hbm4b:s16+s18] =	stream.linear.scatter @p0 [tilespmem:s19], [sflag:$0x2], $0x10000, $0x38;
	[tilespmem:$0x15000] =	vst v63  }
0x23: {  	_ =	swait.ge @p0 [sflag:s17], $0x10000  }
0x24: {  	s21 =	simm.s32 @!p0 $0x80;
	s22 =	simm.s32 @!p0 $0x11000;
	[sflag:s17] =	ssyncset.done @p0 $0x0  }
0x25: {  	s23 =	simm.s32 @!p0 $0x1;
	s20 =	sadd.s32 $0x200, s6;
	[sflag:s17] =	ssyncadd.s32 @p0 $0xFFFF0000  }
0x26: {  	[tilespmem:s22], [sflag:$0x1] =	stream.indirect.gather @!p0 [hbm4b:s2+s21], $0x80, s20, s21, $0xb8;
	[tilespmem:$0x15000] =	vst v63  }
0x27: {  	_ =	swait.ge @!p0 [sflag:s23], $0x4000  }
0x28: {  	[sflag:s23] =	ssyncset.done @!p0 $0x0  }
0x29: {  	[sflag:s23] =	ssyncadd.s32 @!p0 $0xFFFFC000  }
0x2a: {  	_ =	swait.ge @!p0 [sflag:s23], $0x4000  }
0x2b: {  	[sflag:s23] =	ssyncset.done @!p0 $0x0  }
0x2c: {  	[sflag:s23] =	ssyncadd.s32 @!p0 $0xFFFFC000  }
0x2d: {  	_ =	swait.ge @!p0 [sflag:s23], $0x4000  }
0x2e: {  	s24 =	ssub.s32 $0x2, s24;
	[sflag:s23] =	ssyncset.done @!p0 $0x0  }
0x2f: {  	s28 =	sshrl.u32 s24, $0x1;
	[sflag:s23] =	ssyncadd.s32 @!p0 $0xFFFFC000  }
0x30: {  	s28 =	ssub.s32 s24, s28;
	_ =	swait.ge @!p0 [sflag:s23], $0x4000  }
0x31: {  	s25 =	smul.u32 $0x2800, s25;
	s31 =	smax.u32 s28, $0x1;
	[sflag:s23] =	ssyncset.done @!p0 $0x0  }
0x32: {  	s29 =	sadd.s32 $0xFFFFFFFF, s31;
	[sflag:s23] =	ssyncadd.s32 @!p0 $0xFFFFC000  }
0x33: {  	s24 =	sadd.s32 s26, s25;
	p1 =	sne.s32 s29, $0x0;
	_ =	swait.ge @!p0 [sflag:s23], $0x4000  }
.Ltmp0:
0x34: {  	s26 =	simm.s32 @!p0 $0x0;
	[sflag:s23] =	ssyncset.done @!p0 $0x0;
	(pc) =	sbr.rel @!p1 .LBB2_2-.Ltmp0, $4  }
0x35: {  	s28 =	simm.s32 @!p0 $0x1000;
	s25 =	simm.s32 @!p0 $0x2;
	[sflag:s23] =	ssyncadd.s32 @!p0 $0xFFFFC000  }
0x36: {  	[hbm4b:s24+s26] =	stream.linear.scatter @!p0 [tilespmem:s28], [sflag:$0x2], $0x14000, $0x38;
	[tilespmem:$0x15000] =	vst v63  }
0x37: {  	_ =	swait.ge @!p0 [sflag:s25], $0x14000  }
0x38: {  	[sflag:s25] =	ssyncset.done @!p0 $0x0  }
.LBB2_1:
0x39: {  	s29 =	sadd.s32 $0xFFFFFFFF, s29;
	[sflag:s25] =	ssyncadd.s32 @!p0 $0xFFFEC000  }
0x3a: {  	[tilespmem:s3], [sflag:$0x2] =	stream.linear.gather [hbm4b:s4+s3], $0x1000, $0x38;
	[tilespmem:$0x15000] =	vst v63  }
0x3b: {  	p1 =	sne.s32 s29, $0x0;
	_ =	swait.ge [sflag:s5], $0x1000  }
0x3c: {  	[sflag:s5] =	ssyncset.done $0x0  }
0x3d: {  	[sflag:s5] =	ssyncadd.s32 $0xFFFFF000  }
0x3e: {  	[tilespmem:s8], [sflag:$0x1] =	stream.indirect.gather [hbm4b:s2+s7], $0x80, s6, s7, $0xb8;
	[tilespmem:$0x15000] =	vst v63  }
0x3f: {  	_ = 	snop  }
0x40: {  	[tilespmem:s10], [sflag:$0x1] =	stream.indirect.gather [hbm4b:s2+s7], $0x80, s9, s7, $0xb8;
	[tilespmem:$0x15000] =	vst v63  }
0x41: {  	_ = 	snop  }
0x42: {  	[tilespmem:s12], [sflag:$0x1] =	stream.indirect.gather [hbm4b:s2+s7], $0x80, s11, s7, $0xb8;
	[tilespmem:$0x15000] =	vst v63  }
0x43: {  	_ = 	snop  }
0x44: {  	[tilespmem:s14], [sflag:$0x1] =	stream.indirect.gather [hbm4b:s2+s7], $0x80, s13, s7, $0xb8;
	[tilespmem:$0x15000] =	vst v63  }
0x45: {  	_ =	swait.ge @p0 [sflag:s15], $0x4000  }
0x46: {  	[sflag:s15] =	ssyncset.done @p0 $0x0  }
0x47: {  	[sflag:s15] =	ssyncadd.s32 @p0 $0xFFFFC000  }
0x48: {  	_ =	swait.ge @p0 [sflag:s15], $0x4000  }
0x49: {  	[sflag:s15] =	ssyncset.done @p0 $0x0  }
0x4a: {  	[sflag:s15] =	ssyncadd.s32 @p0 $0xFFFFC000  }
0x4b: {  	_ =	swait.ge @p0 [sflag:s15], $0x4000  }
0x4c: {  	[sflag:s15] =	ssyncset.done @p0 $0x0  }
0x4d: {  	[sflag:s15] =	ssyncadd.s32 @p0 $0xFFFFC000  }
0x4e: {  	_ =	swait.ge @p0 [sflag:s15], $0x4000  }
0x4f: {  	[sflag:s15] =	ssyncset.done @p0 $0x0  }
0x50: {  	[sflag:s15] =	ssyncadd.s32 @p0 $0xFFFFC000  }
0x51: {  	[hbm4b:s16+s18] =	stream.linear.scatter @p0 [tilespmem:s19], [sflag:$0x2], $0x10000, $0x38;
	[tilespmem:$0x15000] =	vst v63  }
0x52: {  	_ =	swait.ge @p0 [sflag:s17], $0x10000  }
0x53: {  	[sflag:s17] =	ssyncset.done @p0 $0x0  }
0x54: {  	[sflag:s17] =	ssyncadd.s32 @p0 $0xFFFF0000  }
0x55: {  	[tilespmem:s22], [sflag:$0x1] =	stream.indirect.gather @!p0 [hbm4b:s2+s21], $0x80, s20, s21, $0xb8;
	[tilespmem:$0x15000] =	vst v63  }
0x56: {  	_ =	swait.ge @!p0 [sflag:s23], $0x4000  }
0x57: {  	[sflag:s23] =	ssyncset.done @!p0 $0x0  }
0x58: {  	[sflag:s23] =	ssyncadd.s32 @!p0 $0xFFFFC000  }
0x59: {  	_ =	swait.ge @!p0 [sflag:s23], $0x4000  }
0x5a: {  	[sflag:s23] =	ssyncset.done @!p0 $0x0  }
0x5b: {  	[sflag:s23] =	ssyncadd.s32 @!p0 $0xFFFFC000  }
0x5c: {  	_ =	swait.ge @!p0 [sflag:s23], $0x4000  }
0x5d: {  	[sflag:s23] =	ssyncset.done @!p0 $0x0  }
0x5e: {  	[sflag:s23] =	ssyncadd.s32 @!p0 $0xFFFFC000  }
0x5f: {  	_ =	swait.ge @!p0 [sflag:s23], $0x4000  }
0x60: {  	[sflag:s23] =	ssyncset.done @!p0 $0x0  }
0x61: {  	[sflag:s23] =	ssyncadd.s32 @!p0 $0xFFFFC000  }
0x62: {  	_ =	swait.ge @!p0 [sflag:s23], $0x4000  }
.Ltmp1:
0x63: {  	[sflag:s23] =	ssyncset.done @!p0 $0x0;
	(pc) =	sbr.rel @p1 .LBB2_1-.Ltmp1, $4  }
0x64: {  	[sflag:s23] =	ssyncadd.s32 @!p0 $0xFFFFC000  }
0x65: {  	[hbm4b:s24+s26] =	stream.linear.scatter @!p0 [tilespmem:s28], [sflag:$0x2], $0x14000, $0x38;
	[tilespmem:$0x15000] =	vst v63  }
0x66: {  	_ =	swait.ge @!p0 [sflag:s25], $0x14000  }
0x67: {  	[sflag:s25] =	ssyncset.done @!p0 $0x0  }
.LBB2_2:
0x68: {  	[sflag:s25] =	ssyncadd.s32 @!p0 $0xFFFEC000  }
0x69: {  	_ =	sfence.sel $0x180000  }
0x6a: {  	[bflag:$0x0] =	sbarrier.arrive $0xFFFF  }
0x6b: {  	p0 =	sne.s32 s0, $0x0;
	_ =	strace $0x90000047  }
0x6c: {  	s0 =	sadd.s32 @!p0 $0x100000, s1;
	[bflag:$0x2] =	sbarrier.arrive $0xFFFF  }
0x6d: {  	[sflag:s0] =	ssyncadd.tile.s32 @!p0 $0x1;
	_ =	shalt  }
.Lfunc_end2:
_tile_overlayer_lowered:
.L_overlay_start_2:
0x6e: {  	(tag) =	ssettag $0x2  }
0x6f: {  	s0 =	rddreg [dreg:$0x0];
	s2 =	stileid.u32  }
0x70: {  	s1 =	rddreg [dreg:$0x1];
	p0 =	sne.s32 s2, $0x0  }
0x71: {  	s3 =	rddreg [dreg:$0x2];
	[bflag:$0x3] =	sbarrier.arrive $0xFFFF;
	s2 =	simm.s32 @!p0 $0x1C02  }
0x72: {  	[timem:s3], [sflag:s2] =	dma.local @!p0 [hbm:s0], s1  }
0x73: {  	s0 =	simm.s32 @!p0 $0x2  }
0x74: {  	_ =	swait.ge @!p0 [sflag:s0], s1  }
0x75: {  	s1 =	ssub.s32 @!p0 $0x0, s1;
	[sflag:s0] =	ssyncset.done @!p0 $0x0  }
0x76: {  	[sflag:s0] =	ssyncadd.s32 @!p0 s1  }
0x77: {  	[bflag:$0x3] =	sbarrier.arrive $0xFFFF  }
0x78: {  	_ =	shalt  }

</sc_bundles>
